<compile_context>
chip_gen: v7x
topology: tpu7x:2x2x1
jax: 0.10.2.dev20260603
libtpu: 0.0.44.dev20260713+nightly
codegen_flags: <defaults>
</compile_context>

<pallas_src>
import functools

import jax
import jax.numpy as jnp
from jax.experimental import pallas as pl
from jax.experimental.pallas import tpu as pltpu

N = 256
TAU = 0.5
F_IN = 2
OUT_DIM = 1
H = 32
T_ENC = 4
T_DEC = 4
GLH = 64
B = 4

_C = 16


def _fused(x_ref, ent_ref, glw_ref, glb_ref, glfc_ref, glfcb_ref,
           gow_ref, gob_ref, g0_ref, g1_ref,
           eWru0_ref, eWru1_ref, ebru_ref, eWc0_ref, eWc1_ref, ebc_ref,
           dWru0_ref, dWru1_ref, dbru_ref, dWc0_ref, dWc1_ref, dbc_ref,
           out_ref, emb_ref, adjT_ref):
    f32 = jnp.float32
    dot = functools.partial(jnp.dot, preferred_element_type=f32)
    hdot = functools.partial(jnp.dot, preferred_element_type=f32,
                             precision=jax.lax.Precision.HIGHEST)

    emb = jnp.maximum(dot(ent_ref[...], glw_ref[...]) + glb_ref[...], 0.0)
    emb_ref[...] = emb
    glfc = glfc_ref[...]
    glfcb = glfcb_ref[...]
    gow = gow_ref[...]
    gob = gob_ref[...]
    src_id = jax.lax.broadcasted_iota(jnp.int32, (_C, N), 1)
    dst_id0 = jax.lax.broadcasted_iota(jnp.int32, (_C, N), 0)

    def mask_chunk(c, carry):
        embc = emb_ref[pl.ds(c * _C, _C), :]
        left = jnp.broadcast_to(emb[None, :, :], (_C, N, GLH)).reshape(_C * N, GLH)
        right = jnp.broadcast_to(embc[:, None, :], (_C, N, GLH)).reshape(_C * N, GLH)
        pair = jnp.concatenate([left, right], axis=1)
        hp = jnp.maximum(dot(pair, glfc) + glfcb, 0.0)
        z = (dot(hp, gow) + gob).reshape(_C, N, 2)
        v0 = (z[:, :, 0] + g0_ref[pl.ds(c * _C, _C), :]) / TAU
        v1 = (z[:, :, 1] + g1_ref[pl.ds(c * _C, _C), :]) / TAU
        keep = (v0 >= v1) & (src_id != (dst_id0 + c * _C))
        adjT_ref[pl.ds(c * _C, _C), :] = jnp.where(keep, 1.0, 0.0).astype(f32)
        return carry

    jax.lax.fori_loop(0, N // _C, mask_chunk, 0)
    adjT = adjT_ref[...]

    def agg(v):
        return jnp.stack([hdot(adjT, v[k]) for k in range(B)], axis=0)

    def cell(x, h, Wru0, Wru1, bru, Wc0, Wc1, bc):
        cat = jnp.concatenate([x, h], axis=-1)
        cin = cat.shape[-1]
        acat = agg(cat)
        cat2d = cat.reshape(B * N, cin)
        acat2d = acat.reshape(B * N, cin)
        ru = jax.nn.sigmoid(dot(cat2d, Wru0) + dot(acat2d, Wru1) + bru)
        r, u = ru[:, :H], ru[:, H:]
        h2 = h.reshape(B * N, H)
        rh = r * h2
        cat2 = jnp.concatenate([x.reshape(B * N, -1), rh], axis=-1)
        acat2 = agg(cat2.reshape(B, N, cin)).reshape(B * N, cin)
        cand = jnp.tanh(dot(cat2, Wc0) + dot(acat2, Wc1) + bc)
        return (u * h2 + (1.0 - u) * cand).reshape(B, N, H)

    h = jnp.zeros((B, N, H), dtype=f32)
    for t in range(T_ENC):
        h = cell(x_ref[t], h, eWru0_ref[...], eWru1_ref[...], ebru_ref[...],
                 eWc0_ref[...], eWc1_ref[...], ebc_ref[...])

    go = jnp.zeros((B, N, OUT_DIM), dtype=f32)
    for t in range(T_DEC):
        h = cell(go, h, dWru0_ref[...], dWru1_ref[...], dbru_ref[...],
                 dWc0_ref[...], dWc1_ref[...], dbc_ref[...])
        out_ref[t] = h


def _gumbel_planes():
    E = N * (N - 1)
    g = jax.random.gumbel(jax.random.key(42), (E, 2), dtype=jnp.float32)
    rows = jnp.arange(N)[:, None]
    cols = jnp.arange(N)[None, :]
    take = jnp.clip(jnp.where(cols < rows, cols, cols - 1), 0, N - 2)
    planes = []
    for c in range(2):
        gc = g[:, c].reshape(N, N - 1)
        dense = jnp.take_along_axis(gc, take, axis=1)
        planes.append(dense.T)
    return planes


def kernel(inputs, entire_inputs, gl_w, gl_b, gl_fc_w, gl_fc_b, gl_out_w,
           gl_out_b, enc_Wru0, enc_Wru1, enc_bru, enc_Wc0, enc_Wc1, enc_bc,
           dec_Wru0, dec_Wru1, dec_bru, dec_Wc0, dec_Wc1, dec_bc):
    f32 = jnp.float32
    g0, g1 = _gumbel_planes()
    args = (
        inputs,
        entire_inputs,
        gl_w,
        gl_b.reshape(1, GLH),
        gl_fc_w,
        gl_fc_b.reshape(1, GLH),
        gl_out_w,
        gl_out_b.reshape(1, 2),
        g0, g1,
        enc_Wru0, enc_Wru1, enc_bru.reshape(1, 2 * H),
        enc_Wc0, enc_Wc1, enc_bc.reshape(1, H),
        dec_Wru0, dec_Wru1, dec_bru.reshape(1, 2 * H),
        dec_Wc0, dec_Wc1, dec_bc.reshape(1, H),
    )
    out = pl.pallas_call(
        _fused,
        out_shape=jax.ShapeDtypeStruct((T_DEC, B, N, H), f32),
        scratch_shapes=[
            pltpu.VMEM((N, GLH), f32),
            pltpu.VMEM((N, N), f32),
        ],
    )(*args)
    return out

# --- scband reference (transcript-rebuilt; emitter-appended) ---
"""Pipeline reference for scband-gtsmodel-67250597921030 (READ-ONLY COPY).

The authoritative reference and input builder live on the scoring server;
editing this copy changes nothing except your own understanding.
"""

import jax, jax.numpy as jnp
import numpy as np

N = 256
TAU = 0.5
F_IN = 2
OUT_DIM = 1
H = 32
T_ENC = 4
T_DEC = 4
GLH = 64
SERIES = 2016
B = 4

_idx = np.arange(N)
_src = np.repeat(_idx, N)
_dst = np.tile(_idx, N)
_keep = _src != _dst
SRC = jnp.asarray(_src[_keep], dtype=jnp.int32)
DST = jnp.asarray(_dst[_keep], dtype=jnp.int32)


def setup_inputs(seed: int = 0):
    key = jax.random.key(seed)
    ks = jax.random.split(key, 24)
    s = 0.05
    rn = lambda k, sh: s * jax.random.normal(k, sh, dtype=jnp.float32)
    return {
        'inputs': jax.random.normal(ks[0], (T_ENC, B, N, F_IN), dtype=jnp.float32),
        'entire_inputs': jax.random.normal(ks[1], (N, SERIES), dtype=jnp.float32),
        'gl_w': rn(ks[2], (SERIES, GLH)),
        'gl_b': jnp.zeros((GLH,), jnp.float32),
        'gl_fc_w': rn(ks[3], (2 * GLH, GLH)),
        'gl_fc_b': jnp.zeros((GLH,), jnp.float32),
        'gl_out_w': rn(ks[4], (GLH, 2)),
        'gl_out_b': jnp.zeros((2,), jnp.float32),
        'enc_Wru0': rn(ks[5], (F_IN + H, 2 * H)),
        'enc_Wru1': rn(ks[6], (F_IN + H, 2 * H)),
        'enc_bru': jnp.ones((2 * H,), jnp.float32),
        'enc_Wc0': rn(ks[7], (F_IN + H, H)),
        'enc_Wc1': rn(ks[8], (F_IN + H, H)),
        'enc_bc': jnp.zeros((H,), jnp.float32),
        'dec_Wru0': rn(ks[9], (OUT_DIM + H, 2 * H)),
        'dec_Wru1': rn(ks[10], (OUT_DIM + H, 2 * H)),
        'dec_bru': jnp.ones((2 * H,), jnp.float32),
        'dec_Wc0': rn(ks[11], (OUT_DIM + H, H)),
        'dec_Wc1': rn(ks[12], (OUT_DIM + H, H)),
        'dec_bc': jnp.zeros((H,), jnp.float32),
    }


def _forward(inputs, entire_inputs, gl_w, gl_b, gl_fc_w, gl_fc_b, gl_out_w, gl_out_b,
             enc_Wru0, enc_Wru1, enc_bru, enc_Wc0, enc_Wc1, enc_bc,
             dec_Wru0, dec_Wru1, dec_bru, dec_Wc0, dec_Wc1, dec_bc):
    # --- global graph learning on the entire series ---
    emb = jax.nn.relu(entire_inputs @ gl_w + gl_b)
    pair = jnp.concatenate([jnp.take(emb, SRC, axis=0), jnp.take(emb, DST, axis=0)], axis=-1)
    hp = jax.nn.relu(pair @ gl_fc_w + gl_fc_b)
    z = hp @ gl_out_w + gl_out_b  # [E, 2]
    g = jax.random.gumbel(jax.random.key(42), z.shape, dtype=z.dtype)
    y_soft = jax.nn.softmax((z + g) / TAU, axis=-1)
    y_hard = jax.nn.one_hot(jnp.argmax(y_soft, axis=-1), 2, dtype=z.dtype)
    y = jax.lax.stop_gradient(y_hard - y_soft) + y_soft  # straight-through hard gumbel
    mask = jnp.transpose(y, (1, 0))[0]  # z_1 = transpose(z_1, 0, 1); z_1[0] selects edges
    b = inputs.shape[1]

    def agg(x):
        # sparse A @ x over selected edges via gather + weighted scatter-add
        c = x.shape[-1]
        xt = jnp.transpose(x, (1, 0, 2)).reshape(N, b * c)
        msg = jnp.take(xt, SRC, axis=0) * mask[:, None]
        out = jax.ops.segment_sum(msg, DST, num_segments=N)
        return jnp.transpose(out.reshape(N, b, c), (1, 0, 2))

    def cell(x, h, Wru0, Wru1, bru, Wc0, Wc1, bc):
        cat = jnp.concatenate([x, h], axis=-1)
        acat = agg(cat)
        ru = jax.nn.sigmoid(cat @ Wru0 + acat @ Wru1 + bru)
        r, u = ru[..., :H], ru[..., H:]
        cat2 = jnp.concatenate([x, r * h], axis=-1)
        acat2 = agg(cat2)
        cand = jnp.tanh(cat2 @ Wc0 + acat2 @ Wc1 + bc)
        return u * h + (1.0 - u) * cand

    # --- encoder DCRNN ---
    h = jnp.zeros((b, N, H), dtype=inputs.dtype)
    for t in range(T_ENC):
        h = cell(inputs[t], h, enc_Wru0, enc_Wru1, enc_bru, enc_Wc0, enc_Wc1, enc_bc)
    # --- decoder DCRNN (go symbol, hidden states collected) ---
    go = jnp.zeros((b, N, OUT_DIM), dtype=inputs.dtype)
    dh = h
    outs = []
    for t in range(T_DEC):
        dh = cell(go, dh, dec_Wru0, dec_Wru1, dec_bru, dec_Wc0, dec_Wc1, dec_bc)
        outs.append(dh)
    return jnp.stack(outs, axis=0)


def reference(inputs, entire_inputs, gl_w, gl_b, gl_fc_w, gl_fc_b, gl_out_w, gl_out_b,
              enc_Wru0, enc_Wru1, enc_bru, enc_Wc0, enc_Wc1, enc_bc,
              dec_Wru0, dec_Wru1, dec_bru, dec_Wc0, dec_Wc1, dec_bc):
    return _forward(inputs, entire_inputs, gl_w, gl_b, gl_fc_w, gl_fc_b, gl_out_w, gl_out_b,
                    enc_Wru0, enc_Wru1, enc_bru, enc_Wc0, enc_Wc1, enc_bc,
                    dec_Wru0, dec_Wru1, dec_bru, dec_Wc0, dec_Wc1, dec_bc)

if __name__ == "__main__":
    import jax
    _d = setup_inputs()
    print(jax.jit(kernel)(*tuple(_d.values())))

</pallas_src>

<mosaic_0001>
module attributes {stable_mosaic.version = 14 : i64} {
  func.func @_fused(%arg0: memref<4x4x256x2xf32, #tpu.memory_space<vmem>>, %arg1: memref<256x2016xf32, #tpu.memory_space<vmem>>, %arg2: memref<2016x64xf32, #tpu.memory_space<vmem>>, %arg3: memref<1x64xf32, #tpu.memory_space<vmem>>, %arg4: memref<128x64xf32, #tpu.memory_space<vmem>>, %arg5: memref<1x64xf32, #tpu.memory_space<vmem>>, %arg6: memref<64x2xf32, #tpu.memory_space<vmem>>, %arg7: memref<1x2xf32, #tpu.memory_space<vmem>>, %arg8: memref<256x256xf32, #tpu.memory_space<vmem>>, %arg9: memref<256x256xf32, #tpu.memory_space<vmem>>, %arg10: memref<34x64xf32, #tpu.memory_space<vmem>>, %arg11: memref<34x64xf32, #tpu.memory_space<vmem>>, %arg12: memref<1x64xf32, #tpu.memory_space<vmem>>, %arg13: memref<34x32xf32, #tpu.memory_space<vmem>>, %arg14: memref<34x32xf32, #tpu.memory_space<vmem>>, %arg15: memref<1x32xf32, #tpu.memory_space<vmem>>, %arg16: memref<33x64xf32, #tpu.memory_space<vmem>>, %arg17: memref<33x64xf32, #tpu.memory_space<vmem>>, %arg18: memref<1x64xf32, #tpu.memory_space<vmem>>, %arg19: memref<33x32xf32, #tpu.memory_space<vmem>>, %arg20: memref<33x32xf32, #tpu.memory_space<vmem>>, %arg21: memref<1x32xf32, #tpu.memory_space<vmem>>, %arg22: memref<4x4x256x32xf32, #tpu.memory_space<vmem>>, %arg23: memref<256x64xf32, #tpu.memory_space<vmem>>, %arg24: memref<256x256xf32, #tpu.memory_space<vmem>>) attributes {dimension_semantics = [], scalar_prefetch = 0 : i64, scratch_operands = 2 : i64, tpu.core_type = #tpu.core_type<tc>} {
    %get3A = arith.constant 0 : index
    %get3A_0 = arith.constant 0 : index
    %get3A_1 = vector.load %arg1[%get3A, %get3A_0] : memref<256x2016xf32, #tpu.memory_space<vmem>>, vector<256x2016xf32>
    %get3A_2 = arith.constant 0 : index
    %get3A_3 = arith.constant 0 : index
    %get3A_4 = vector.load %arg2[%get3A_2, %get3A_3] : memref<2016x64xf32, #tpu.memory_space<vmem>>, vector<2016x64xf32>
    %dot_general3A = arith.constant dense<0.000000e+00> : vector<256x64xf32>
    %dot_general3A_5 = tpu.matmul %get3A_1, %get3A_4, %dot_general3A {dimension_numbers = #tpu.dot_dimension_numbers<[1], [0], [0], [1], [0, 0, 1, 1], [], []>, transpose_lhs_hint = false} : vector<256x2016xf32>, vector<2016x64xf32>, vector<256x64xf32> -> vector<256x64xf32>
    %get3A_6 = arith.constant 0 : index
    %get3A_7 = arith.constant 0 : index
    %get3A_8 = vector.load %arg3[%get3A_6, %get3A_7] : memref<1x64xf32, #tpu.memory_space<vmem>>, vector<1x64xf32>
    %add3A = vector.broadcast %get3A_8 : vector<1x64xf32> to vector<256x64xf32>
    %add3A_9 = arith.addf %dot_general3A_5, %add3A : vector<256x64xf32>
    %max3A = arith.constant 0.000000e+00 : f32
    %max3A_10 = vector.broadcast %max3A : f32 to vector<256x64xf32>
    %max3A_11 = arith.maximumf %add3A_9, %max3A_10 : vector<256x64xf32>
    %swap3A = arith.constant 0 : index
    %swap3A_12 = arith.constant 0 : index
    %swap3A_13 = vector.load %arg23[%swap3A, %swap3A_12] : memref<256x64xf32, #tpu.memory_space<vmem>>, vector<256x64xf32>
    tpu.vector_store %arg23[%swap3A, %swap3A_12], %max3A_11 {strides = array<i32>} : memref<256x64xf32, #tpu.memory_space<vmem>>, vector<256x64xf32>,
    %get3A_14 = arith.constant 0 : index
    %get3A_15 = arith.constant 0 : index
    %get3A_16 = vector.load %arg4[%get3A_14, %get3A_15] : memref<128x64xf32, #tpu.memory_space<vmem>>, vector<128x64xf32>
    %get3A_17 = arith.constant 0 : index
    %get3A_18 = arith.constant 0 : index
    %get3A_19 = vector.load %arg5[%get3A_17, %get3A_18] : memref<1x64xf32, #tpu.memory_space<vmem>>, vector<1x64xf32>
    %get3A_20 = arith.constant 0 : index
    %get3A_21 = arith.constant 0 : index
    %get3A_22 = vector.load %arg6[%get3A_20, %get3A_21] : memref<64x2xf32, #tpu.memory_space<vmem>>, vector<64x2xf32>
    %get3A_23 = arith.constant 0 : index
    %get3A_24 = arith.constant 0 : index
    %get3A_25 = vector.load %arg7[%get3A_23, %get3A_24] : memref<1x2xf32, #tpu.memory_space<vmem>>, vector<1x2xf32>
    %iota3A = tpu.iota {dimensions = array<i32: 1>} : vector<16x256xi32>
    %iota3A_26 = tpu.iota {dimensions = array<i32: 0>} : vector<16x256xi32>
    %scan3A = arith.constant 0 : i32
    %scan3A_27 = arith.constant 16 : i32
    %scan3A_28 = arith.addi %scan3A, %scan3A_27 : i32
    %scan3A_29 = arith.constant 1 : i32
    scf.for %scan3A_872 = %scan3A to %scan3A_28 step %scan3A_29  : i32 {
      %mul3A_873 = arith.constant 16 : i32
      %mul3A_874 = arith.muli %scan3A_872, %mul3A_873 : i32
      %get3A_875 = arith.index_cast %mul3A_874 : i32 to index
      %get3A_876 = arith.constant 0 : index
      %get3A_877 = vector.load %arg23[%get3A_875, %get3A_876] : memref<256x64xf32, #tpu.memory_space<vmem>>, vector<16x64xf32>
      %broadcast_in_dim3A_878 = vector.shape_cast %max3A_11 : vector<256x64xf32> to vector<1x256x64xf32>
      %broadcast_in_dim3A_879 = vector.shape_cast %broadcast_in_dim3A_878 : vector<1x256x64xf32> to vector<1x256x64xf32>
      %broadcast_in_dim3A_880 = vector.broadcast %broadcast_in_dim3A_879 : vector<1x256x64xf32> to vector<16x256x64xf32>
      %reshape3A_881 = vector.shape_cast %broadcast_in_dim3A_880 : vector<16x256x64xf32> to vector<4096x64xf32>
      %broadcast_in_dim3A_882 = vector.shape_cast %get3A_877 : vector<16x64xf32> to vector<16x1x64xf32>
      %broadcast_in_dim3A_883 = vector.shape_cast %broadcast_in_dim3A_882 : vector<16x1x64xf32> to vector<16x1x64xf32>
      %broadcast_in_dim3A_884 = vector.broadcast %broadcast_in_dim3A_883 : vector<16x1x64xf32> to vector<16x256x64xf32>
      %reshape3A_885 = vector.shape_cast %broadcast_in_dim3A_884 : vector<16x256x64xf32> to vector<4096x64xf32>
      %concatenate3A_886 = tpu.concatenate %reshape3A_881, %reshape3A_885 in 1 : vector<4096x64xf32>, vector<4096x64xf32> -> vector<4096x128xf32>
      %dot_general3A_887 = arith.constant dense<0.000000e+00> : vector<4096x64xf32>
      %dot_general3A_888 = tpu.matmul %concatenate3A_886, %get3A_16, %dot_general3A_887 {dimension_numbers = #tpu.dot_dimension_numbers<[1], [0], [0], [1], [0, 0, 1, 1], [], []>, transpose_lhs_hint = false} : vector<4096x128xf32>, vector<128x64xf32>, vector<4096x64xf32> -> vector<4096x64xf32>
      %add3A_889 = vector.broadcast %get3A_19 : vector<1x64xf32> to vector<4096x64xf32>
      %add3A_890 = arith.addf %dot_general3A_888, %add3A_889 : vector<4096x64xf32>
      %max3A_891 = arith.constant 0.000000e+00 : f32
      %max3A_892 = vector.broadcast %max3A_891 : f32 to vector<4096x64xf32>
      %max3A_893 = arith.maximumf %add3A_890, %max3A_892 : vector<4096x64xf32>
      %dot_general3A_894 = arith.constant dense<0.000000e+00> : vector<4096x2xf32>
      %dot_general3A_895 = tpu.matmul %max3A_893, %get3A_22, %dot_general3A_894 {dimension_numbers = #tpu.dot_dimension_numbers<[1], [0], [0], [1], [0, 0, 1, 1], [], []>, transpose_lhs_hint = false} : vector<4096x64xf32>, vector<64x2xf32>, vector<4096x2xf32> -> vector<4096x2xf32>
      %add3A_896 = vector.broadcast %get3A_25 : vector<1x2xf32> to vector<4096x2xf32>
      %add3A_897 = arith.addf %dot_general3A_895, %add3A_896 : vector<4096x2xf32>
      %reshape3A_898 = vector.shape_cast %add3A_897 : vector<4096x2xf32> to vector<16x256x2xf32>
      %slice3A_899 = vector.extract_strided_slice %reshape3A_898 {offsets = [0, 0, 0], sizes = [16, 256, 1], strides = [1, 1, 1]} : vector<16x256x2xf32> to vector<16x256x1xf32>
      %squeeze3A_900 = vector.shape_cast %slice3A_899 : vector<16x256x1xf32> to vector<16x256xf32>
      %mul3A_901 = arith.constant 16 : i32
      %mul3A_902 = arith.muli %scan3A_872, %mul3A_901 : i32
      %get3A_903 = arith.index_cast %mul3A_902 : i32 to index
      %get3A_904 = arith.constant 0 : index
      %get3A_905 = vector.load %arg8[%get3A_903, %get3A_904] : memref<256x256xf32, #tpu.memory_space<vmem>>, vector<16x256xf32>
      %add3A_906 = arith.addf %squeeze3A_900, %get3A_905 : vector<16x256xf32>
      %div3A = arith.constant 5.000000e-01 : f32
      %div3A_907 = vector.broadcast %div3A : f32 to vector<16x256xf32>
      %div3A_908 = arith.divf %add3A_906, %div3A_907 : vector<16x256xf32>
      %slice3A_909 = vector.extract_strided_slice %reshape3A_898 {offsets = [0, 0, 1], sizes = [16, 256, 1], strides = [1, 1, 1]} : vector<16x256x2xf32> to vector<16x256x1xf32>
      %squeeze3A_910 = vector.shape_cast %slice3A_909 : vector<16x256x1xf32> to vector<16x256xf32>
      %mul3A_911 = arith.constant 16 : i32
      %mul3A_912 = arith.muli %scan3A_872, %mul3A_911 : i32
      %get3A_913 = arith.index_cast %mul3A_912 : i32 to index
      %get3A_914 = arith.constant 0 : index
      %get3A_915 = vector.load %arg9[%get3A_913, %get3A_914] : memref<256x256xf32, #tpu.memory_space<vmem>>, vector<16x256xf32>
      %add3A_916 = arith.addf %squeeze3A_910, %get3A_915 : vector<16x256xf32>
      %div3A_917 = arith.constant 5.000000e-01 : f32
      %div3A_918 = vector.broadcast %div3A_917 : f32 to vector<16x256xf32>
      %div3A_919 = arith.divf %add3A_916, %div3A_918 : vector<16x256xf32>
      %ge3A = arith.cmpf oge, %div3A_908, %div3A_919 : vector<16x256xf32>
      %mul3A_920 = arith.constant 16 : i32
      %mul3A_921 = arith.muli %scan3A_872, %mul3A_920 : i32
      %add3A_922 = vector.broadcast %mul3A_921 : i32 to vector<16x256xi32>
      %add3A_923 = arith.addi %iota3A_26, %add3A_922 : vector<16x256xi32>
      %ne3A = arith.cmpi ne, %iota3A, %add3A_923 : vector<16x256xi32>
      %and3A = arith.andi %ge3A, %ne3A : vector<16x256xi1>
      %jit3A = arith.constant 1.000000e+00 : f32
      %jit3A_924 = arith.constant 0.000000e+00 : f32
      %broadcast_in_dim3A_925 = vector.broadcast %jit3A : f32 to vector<16x256xf32>
      %broadcast_in_dim3A_926 = vector.broadcast %jit3A_924 : f32 to vector<16x256xf32>
      %select_n3A = arith.select %and3A, %broadcast_in_dim3A_925, %broadcast_in_dim3A_926 : vector<16x256xi1>, vector<16x256xf32>
      %mul3A_927 = arith.constant 16 : i32
      %mul3A_928 = arith.muli %scan3A_872, %mul3A_927 : i32
      %swap3A_929 = arith.index_cast %mul3A_928 : i32 to index
      %swap3A_930 = arith.constant 0 : index
      %swap3A_931 = vector.load %arg24[%swap3A_929, %swap3A_930] : memref<256x256xf32, #tpu.memory_space<vmem>>, vector<16x256xf32>
      tpu.vector_store %arg24[%swap3A_929, %swap3A_930], %select_n3A {strides = array<i32>} : memref<256x256xf32, #tpu.memory_space<vmem>>, vector<16x256xf32>,
    }
    %scan3A_30 = arith.constant 16 : i32
    %get3A_31 = arith.constant 0 : index
    %get3A_32 = arith.constant 0 : index
    %get3A_33 = vector.load %arg24[%get3A_31, %get3A_32] : memref<256x256xf32, #tpu.memory_space<vmem>>, vector<256x256xf32>
    %broadcast_in_dim3A = arith.constant 0.000000e+00 : f32
    %broadcast_in_dim3A_34 = vector.broadcast %broadcast_in_dim3A : f32 to vector<4x256x32xf32>
    %get3A_35 = arith.constant 0 : index
    %get3A_36 = arith.constant 0 : index
    %get3A_37 = arith.constant 0 : index
    %get3A_38 = arith.constant 0 : index
    %get3A_39 = vector.load %arg0[%get3A_35, %get3A_36, %get3A_37, %get3A_38] : memref<4x4x256x2xf32, #tpu.memory_space<vmem>>, vector<1x4x256x2xf32>
    %get3A_40 = vector.shape_cast %get3A_39 : vector<1x4x256x2xf32> to vector<4x256x2xf32>
    %get3A_41 = arith.constant 0 : index
    %get3A_42 = arith.constant 0 : index
    %get3A_43 = vector.load %arg10[%get3A_41, %get3A_42] : memref<34x64xf32, #tpu.memory_space<vmem>>, vector<34x64xf32>
    %get3A_44 = arith.constant 0 : index
    %get3A_45 = arith.constant 0 : index
    %get3A_46 = vector.load %arg11[%get3A_44, %get3A_45] : memref<34x64xf32, #tpu.memory_space<vmem>>, vector<34x64xf32>
    %get3A_47 = arith.constant 0 : index
    %get3A_48 = arith.constant 0 : index
    %get3A_49 = vector.load %arg12[%get3A_47, %get3A_48] : memref<1x64xf32, #tpu.memory_space<vmem>>, vector<1x64xf32>
    %get3A_50 = arith.constant 0 : index
    %get3A_51 = arith.constant 0 : index
    %get3A_52 = vector.load %arg13[%get3A_50, %get3A_51] : memref<34x32xf32, #tpu.memory_space<vmem>>, vector<34x32xf32>
    %get3A_53 = arith.constant 0 : index
    %get3A_54 = arith.constant 0 : index
    %get3A_55 = vector.load %arg14[%get3A_53, %get3A_54] : memref<34x32xf32, #tpu.memory_space<vmem>>, vector<34x32xf32>
    %get3A_56 = arith.constant 0 : index
    %get3A_57 = arith.constant 0 : index
    %get3A_58 = vector.load %arg15[%get3A_56, %get3A_57] : memref<1x32xf32, #tpu.memory_space<vmem>>, vector<1x32xf32>
    %concatenate3A = tpu.concatenate %get3A_40, %broadcast_in_dim3A_34 in 2 : vector<4x256x2xf32>, vector<4x256x32xf32> -> vector<4x256x34xf32>
    %slice3A = vector.extract_strided_slice %concatenate3A {offsets = [0, 0, 0], sizes = [1, 256, 34], strides = [1, 1, 1]} : vector<4x256x34xf32> to vector<1x256x34xf32>
    %squeeze3A = vector.shape_cast %slice3A : vector<1x256x34xf32> to vector<256x34xf32>
    %dot_general3A_59 = arith.constant dense<0.000000e+00> : vector<256x34xf32>
    %dot_general3A_60 = tpu.matmul %get3A_33, %squeeze3A, %dot_general3A_59 {dimension_numbers = #tpu.dot_dimension_numbers<[1], [0], [0], [1], [0, 0, 1, 1], [], []>, precision = #tpu.contract_precision<fp32>, transpose_lhs_hint = false} : vector<256x256xf32>, vector<256x34xf32>, vector<256x34xf32> -> vector<256x34xf32>
    %slice3A_61 = vector.extract_strided_slice %concatenate3A {offsets = [1, 0, 0], sizes = [1, 256, 34], strides = [1, 1, 1]} : vector<4x256x34xf32> to vector<1x256x34xf32>
    %squeeze3A_62 = vector.shape_cast %slice3A_61 : vector<1x256x34xf32> to vector<256x34xf32>
    %dot_general3A_63 = arith.constant dense<0.000000e+00> : vector<256x34xf32>
    %dot_general3A_64 = tpu.matmul %get3A_33, %squeeze3A_62, %dot_general3A_63 {dimension_numbers = #tpu.dot_dimension_numbers<[1], [0], [0], [1], [0, 0, 1, 1], [], []>, precision = #tpu.contract_precision<fp32>, transpose_lhs_hint = false} : vector<256x256xf32>, vector<256x34xf32>, vector<256x34xf32> -> vector<256x34xf32>
    %slice3A_65 = vector.extract_strided_slice %concatenate3A {offsets = [2, 0, 0], sizes = [1, 256, 34], strides = [1, 1, 1]} : vector<4x256x34xf32> to vector<1x256x34xf32>
    %squeeze3A_66 = vector.shape_cast %slice3A_65 : vector<1x256x34xf32> to vector<256x34xf32>
    %dot_general3A_67 = arith.constant dense<0.000000e+00> : vector<256x34xf32>
    %dot_general3A_68 = tpu.matmul %get3A_33, %squeeze3A_66, %dot_general3A_67 {dimension_numbers = #tpu.dot_dimension_numbers<[1], [0], [0], [1], [0, 0, 1, 1], [], []>, precision = #tpu.contract_precision<fp32>, transpose_lhs_hint = false} : vector<256x256xf32>, vector<256x34xf32>, vector<256x34xf32> -> vector<256x34xf32>
    %slice3A_69 = vector.extract_strided_slice %concatenate3A {offsets = [3, 0, 0], sizes = [1, 256, 34], strides = [1, 1, 1]} : vector<4x256x34xf32> to vector<1x256x34xf32>
    %squeeze3A_70 = vector.shape_cast %slice3A_69 : vector<1x256x34xf32> to vector<256x34xf32>
    %dot_general3A_71 = arith.constant dense<0.000000e+00> : vector<256x34xf32>
    %dot_general3A_72 = tpu.matmul %get3A_33, %squeeze3A_70, %dot_general3A_71 {dimension_numbers = #tpu.dot_dimension_numbers<[1], [0], [0], [1], [0, 0, 1, 1], [], []>, precision = #tpu.contract_precision<fp32>, transpose_lhs_hint = false} : vector<256x256xf32>, vector<256x34xf32>, vector<256x34xf32> -> vector<256x34xf32>
    %stack3A = vector.shape_cast %dot_general3A_60 : vector<256x34xf32> to vector<1x256x34xf32>
    %stack3A_73 = vector.shape_cast %dot_general3A_64 : vector<256x34xf32> to vector<1x256x34xf32>
    %stack3A_74 = vector.shape_cast %dot_general3A_68 : vector<256x34xf32> to vector<1x256x34xf32>
    %stack3A_75 = vector.shape_cast %dot_general3A_72 : vector<256x34xf32> to vector<1x256x34xf32>
    %stack3A_76 = tpu.concatenate %stack3A, %stack3A_73, %stack3A_74, %stack3A_75 in 0 : vector<1x256x34xf32>, vector<1x256x34xf32>, vector<1x256x34xf32>, vector<1x256x34xf32> -> vector<4x256x34xf32>
    %reshape3A = vector.shape_cast %concatenate3A : vector<4x256x34xf32> to vector<1024x34xf32>
    %reshape3A_77 = vector.shape_cast %stack3A_76 : vector<4x256x34xf32> to vector<1024x34xf32>
    %dot_general3A_78 = arith.constant dense<0.000000e+00> : vector<1024x64xf32>
    %dot_general3A_79 = tpu.matmul %reshape3A, %get3A_43, %dot_general3A_78 {dimension_numbers = #tpu.dot_dimension_numbers<[1], [0], [0], [1], [0, 0, 1, 1], [], []>, transpose_lhs_hint = false} : vector<1024x34xf32>, vector<34x64xf32>, vector<1024x64xf32> -> vector<1024x64xf32>
    %dot_general3A_80 = arith.constant dense<0.000000e+00> : vector<1024x64xf32>
    %dot_general3A_81 = tpu.matmul %reshape3A_77, %get3A_46, %dot_general3A_80 {dimension_numbers = #tpu.dot_dimension_numbers<[1], [0], [0], [1], [0, 0, 1, 1], [], []>, transpose_lhs_hint = false} : vector<1024x34xf32>, vector<34x64xf32>, vector<1024x64xf32> -> vector<1024x64xf32>
    %add3A_82 = arith.addf %dot_general3A_79, %dot_general3A_81 : vector<1024x64xf32>
    %add3A_83 = vector.broadcast %get3A_49 : vector<1x64xf32> to vector<1024x64xf32>
    %add3A_84 = arith.addf %add3A_82, %add3A_83 : vector<1024x64xf32>
    %logistic3A = arith.negf %add3A_84 : vector<1024x64xf32>
    %logistic3A_85 = math.exp %logistic3A : vector<1024x64xf32>
    %logistic3A_86 = arith.constant 1.000000e+00 : f32
    %logistic3A_87 = vector.broadcast %logistic3A_86 : f32 to vector<1024x64xf32>
    %logistic3A_88 = arith.addf %logistic3A_87, %logistic3A_85 : vector<1024x64xf32>
    %logistic3A_89 = arith.divf %logistic3A_87, %logistic3A_88 : vector<1024x64xf32>
    %slice3A_90 = vector.extract_strided_slice %logistic3A_89 {offsets = [0, 0], sizes = [1024, 32], strides = [1, 1]} : vector<1024x64xf32> to vector<1024x32xf32>
    %slice3A_91 = vector.extract_strided_slice %logistic3A_89 {offsets = [0, 32], sizes = [1024, 32], strides = [1, 1]} : vector<1024x64xf32> to vector<1024x32xf32>
    %reshape3A_92 = vector.shape_cast %broadcast_in_dim3A_34 : vector<4x256x32xf32> to vector<1024x32xf32>
    %mul3A = arith.mulf %slice3A_90, %reshape3A_92 : vector<1024x32xf32>
    %reshape3A_93 = vector.shape_cast %get3A_40 : vector<4x256x2xf32> to vector<1024x2xf32>
    %concatenate3A_94 = tpu.concatenate %reshape3A_93, %mul3A in 1 : vector<1024x2xf32>, vector<1024x32xf32> -> vector<1024x34xf32>
    %reshape3A_95 = vector.shape_cast %concatenate3A_94 : vector<1024x34xf32> to vector<4x256x34xf32>
    %slice3A_96 = vector.extract_strided_slice %reshape3A_95 {offsets = [0, 0, 0], sizes = [1, 256, 34], strides = [1, 1, 1]} : vector<4x256x34xf32> to vector<1x256x34xf32>
    %squeeze3A_97 = vector.shape_cast %slice3A_96 : vector<1x256x34xf32> to vector<256x34xf32>
    %dot_general3A_98 = arith.constant dense<0.000000e+00> : vector<256x34xf32>
    %dot_general3A_99 = tpu.matmul %get3A_33, %squeeze3A_97, %dot_general3A_98 {dimension_numbers = #tpu.dot_dimension_numbers<[1], [0], [0], [1], [0, 0, 1, 1], [], []>, precision = #tpu.contract_precision<fp32>, transpose_lhs_hint = false} : vector<256x256xf32>, vector<256x34xf32>, vector<256x34xf32> -> vector<256x34xf32>
    %slice3A_100 = vector.extract_strided_slice %reshape3A_95 {offsets = [1, 0, 0], sizes = [1, 256, 34], strides = [1, 1, 1]} : vector<4x256x34xf32> to vector<1x256x34xf32>
    %squeeze3A_101 = vector.shape_cast %slice3A_100 : vector<1x256x34xf32> to vector<256x34xf32>
    %dot_general3A_102 = arith.constant dense<0.000000e+00> : vector<256x34xf32>
    %dot_general3A_103 = tpu.matmul %get3A_33, %squeeze3A_101, %dot_general3A_102 {dimension_numbers = #tpu.dot_dimension_numbers<[1], [0], [0], [1], [0, 0, 1, 1], [], []>, precision = #tpu.contract_precision<fp32>, transpose_lhs_hint = false} : vector<256x256xf32>, vector<256x34xf32>, vector<256x34xf32> -> vector<256x34xf32>
    %slice3A_104 = vector.extract_strided_slice %reshape3A_95 {offsets = [2, 0, 0], sizes = [1, 256, 34], strides = [1, 1, 1]} : vector<4x256x34xf32> to vector<1x256x34xf32>
    %squeeze3A_105 = vector.shape_cast %slice3A_104 : vector<1x256x34xf32> to vector<256x34xf32>
    %dot_general3A_106 = arith.constant dense<0.000000e+00> : vector<256x34xf32>
    %dot_general3A_107 = tpu.matmul %get3A_33, %squeeze3A_105, %dot_general3A_106 {dimension_numbers = #tpu.dot_dimension_numbers<[1], [0], [0], [1], [0, 0, 1, 1], [], []>, precision = #tpu.contract_precision<fp32>, transpose_lhs_hint = false} : vector<256x256xf32>, vector<256x34xf32>, vector<256x34xf32> -> vector<256x34xf32>
    %slice3A_108 = vector.extract_strided_slice %reshape3A_95 {offsets = [3, 0, 0], sizes = [1, 256, 34], strides = [1, 1, 1]} : vector<4x256x34xf32> to vector<1x256x34xf32>
    %squeeze3A_109 = vector.shape_cast %slice3A_108 : vector<1x256x34xf32> to vector<256x34xf32>
    %dot_general3A_110 = arith.constant dense<0.000000e+00> : vector<256x34xf32>
    %dot_general3A_111 = tpu.matmul %get3A_33, %squeeze3A_109, %dot_general3A_110 {dimension_numbers = #tpu.dot_dimension_numbers<[1], [0], [0], [1], [0, 0, 1, 1], [], []>, precision = #tpu.contract_precision<fp32>, transpose_lhs_hint = false} : vector<256x256xf32>, vector<256x34xf32>, vector<256x34xf32> -> vector<256x34xf32>
    %stack3A_112 = vector.shape_cast %dot_general3A_99 : vector<256x34xf32> to vector<1x256x34xf32>
    %stack3A_113 = vector.shape_cast %dot_general3A_103 : vector<256x34xf32> to vector<1x256x34xf32>
    %stack3A_114 = vector.shape_cast %dot_general3A_107 : vector<256x34xf32> to vector<1x256x34xf32>
    %stack3A_115 = vector.shape_cast %dot_general3A_111 : vector<256x34xf32> to vector<1x256x34xf32>
    %stack3A_116 = tpu.concatenate %stack3A_112, %stack3A_113, %stack3A_114, %stack3A_115 in 0 : vector<1x256x34xf32>, vector<1x256x34xf32>, vector<1x256x34xf32>, vector<1x256x34xf32> -> vector<4x256x34xf32>
    %reshape3A_117 = vector.shape_cast %stack3A_116 : vector<4x256x34xf32> to vector<1024x34xf32>
    %dot_general3A_118 = arith.constant dense<0.000000e+00> : vector<1024x32xf32>
    %dot_general3A_119 = tpu.matmul %concatenate3A_94, %get3A_52, %dot_general3A_118 {dimension_numbers = #tpu.dot_dimension_numbers<[1], [0], [0], [1], [0, 0, 1, 1], [], []>, transpose_lhs_hint = false} : vector<1024x34xf32>, vector<34x32xf32>, vector<1024x32xf32> -> vector<1024x32xf32>
    %dot_general3A_120 = arith.constant dense<0.000000e+00> : vector<1024x32xf32>
    %dot_general3A_121 = tpu.matmul %reshape3A_117, %get3A_55, %dot_general3A_120 {dimension_numbers = #tpu.dot_dimension_numbers<[1], [0], [0], [1], [0, 0, 1, 1], [], []>, transpose_lhs_hint = false} : vector<1024x34xf32>, vector<34x32xf32>, vector<1024x32xf32> -> vector<1024x32xf32>
    %add3A_122 = arith.addf %dot_general3A_119, %dot_general3A_121 : vector<1024x32xf32>
    %add3A_123 = vector.broadcast %get3A_58 : vector<1x32xf32> to vector<1024x32xf32>
    %add3A_124 = arith.addf %add3A_122, %add3A_123 : vector<1024x32xf32>
    %tanh3A = math.tanh %add3A_124 : vector<1024x32xf32>
    %mul3A_125 = arith.mulf %slice3A_91, %reshape3A_92 : vector<1024x32xf32>
    %sub3A = arith.constant 1.000000e+00 : f32
    %sub3A_126 = vector.broadcast %sub3A : f32 to vector<1024x32xf32>
    %sub3A_127 = arith.subf %sub3A_126, %slice3A_91 : vector<1024x32xf32>
    %mul3A_128 = arith.mulf %sub3A_127, %tanh3A : vector<1024x32xf32>
    %add3A_129 = arith.addf %mul3A_125, %mul3A_128 : vector<1024x32xf32>
    %reshape3A_130 = vector.shape_cast %add3A_129 : vector<1024x32xf32> to vector<4x256x32xf32>
    %get3A_131 = arith.constant 1 : index
    %get3A_132 = arith.constant 0 : index
    %get3A_133 = arith.constant 0 : index
    %get3A_134 = arith.constant 0 : index
    %get3A_135 = vector.load %arg0[%get3A_131, %get3A_132, %get3A_133, %get3A_134] : memref<4x4x256x2xf32, #tpu.memory_space<vmem>>, vector<1x4x256x2xf32>
    %get3A_136 = vector.shape_cast %get3A_135 : vector<1x4x256x2xf32> to vector<4x256x2xf32>
    %get3A_137 = arith.constant 0 : index
    %get3A_138 = arith.constant 0 : index
    %get3A_139 = vector.load %arg10[%get3A_137, %get3A_138] : memref<34x64xf32, #tpu.memory_space<vmem>>, vector<34x64xf32>
    %get3A_140 = arith.constant 0 : index
    %get3A_141 = arith.constant 0 : index
    %get3A_142 = vector.load %arg11[%get3A_140, %get3A_141] : memref<34x64xf32, #tpu.memory_space<vmem>>, vector<34x64xf32>
    %get3A_143 = arith.constant 0 : index
    %get3A_144 = arith.constant 0 : index
    %get3A_145 = vector.load %arg12[%get3A_143, %get3A_144] : memref<1x64xf32, #tpu.memory_space<vmem>>, vector<1x64xf32>
    %get3A_146 = arith.constant 0 : index
    %get3A_147 = arith.constant 0 : index
    %get3A_148 = vector.load %arg13[%get3A_146, %get3A_147] : memref<34x32xf32, #tpu.memory_space<vmem>>, vector<34x32xf32>
    %get3A_149 = arith.constant 0 : index
    %get3A_150 = arith.constant 0 : index
    %get3A_151 = vector.load %arg14[%get3A_149, %get3A_150] : memref<34x32xf32, #tpu.memory_space<vmem>>, vector<34x32xf32>
    %get3A_152 = arith.constant 0 : index
    %get3A_153 = arith.constant 0 : index
    %get3A_154 = vector.load %arg15[%get3A_152, %get3A_153] : memref<1x32xf32, #tpu.memory_space<vmem>>, vector<1x32xf32>
    %concatenate3A_155 = tpu.concatenate %get3A_136, %reshape3A_130 in 2 : vector<4x256x2xf32>, vector<4x256x32xf32> -> vector<4x256x34xf32>
    %slice3A_156 = vector.extract_strided_slice %concatenate3A_155 {offsets = [0, 0, 0], sizes = [1, 256, 34], strides = [1, 1, 1]} : vector<4x256x34xf32> to vector<1x256x34xf32>
    %squeeze3A_157 = vector.shape_cast %slice3A_156 : vector<1x256x34xf32> to vector<256x34xf32>
    %dot_general3A_158 = arith.constant dense<0.000000e+00> : vector<256x34xf32>
    %dot_general3A_159 = tpu.matmul %get3A_33, %squeeze3A_157, %dot_general3A_158 {dimension_numbers = #tpu.dot_dimension_numbers<[1], [0], [0], [1], [0, 0, 1, 1], [], []>, precision = #tpu.contract_precision<fp32>, transpose_lhs_hint = false} : vector<256x256xf32>, vector<256x34xf32>, vector<256x34xf32> -> vector<256x34xf32>
    %slice3A_160 = vector.extract_strided_slice %concatenate3A_155 {offsets = [1, 0, 0], sizes = [1, 256, 34], strides = [1, 1, 1]} : vector<4x256x34xf32> to vector<1x256x34xf32>
    %squeeze3A_161 = vector.shape_cast %slice3A_160 : vector<1x256x34xf32> to vector<256x34xf32>
    %dot_general3A_162 = arith.constant dense<0.000000e+00> : vector<256x34xf32>
    %dot_general3A_163 = tpu.matmul %get3A_33, %squeeze3A_161, %dot_general3A_162 {dimension_numbers = #tpu.dot_dimension_numbers<[1], [0], [0], [1], [0, 0, 1, 1], [], []>, precision = #tpu.contract_precision<fp32>, transpose_lhs_hint = false} : vector<256x256xf32>, vector<256x34xf32>, vector<256x34xf32> -> vector<256x34xf32>
    %slice3A_164 = vector.extract_strided_slice %concatenate3A_155 {offsets = [2, 0, 0], sizes = [1, 256, 34], strides = [1, 1, 1]} : vector<4x256x34xf32> to vector<1x256x34xf32>
    %squeeze3A_165 = vector.shape_cast %slice3A_164 : vector<1x256x34xf32> to vector<256x34xf32>
    %dot_general3A_166 = arith.constant dense<0.000000e+00> : vector<256x34xf32>
    %dot_general3A_167 = tpu.matmul %get3A_33, %squeeze3A_165, %dot_general3A_166 {dimension_numbers = #tpu.dot_dimension_numbers<[1], [0], [0], [1], [0, 0, 1, 1], [], []>, precision = #tpu.contract_precision<fp32>, transpose_lhs_hint = false} : vector<256x256xf32>, vector<256x34xf32>, vector<256x34xf32> -> vector<256x34xf32>
    %slice3A_168 = vector.extract_strided_slice %concatenate3A_155 {offsets = [3, 0, 0], sizes = [1, 256, 34], strides = [1, 1, 1]} : vector<4x256x34xf32> to vector<1x256x34xf32>
    %squeeze3A_169 = vector.shape_cast %slice3A_168 : vector<1x256x34xf32> to vector<256x34xf32>
    %dot_general3A_170 = arith.constant dense<0.000000e+00> : vector<256x34xf32>
    %dot_general3A_171 = tpu.matmul %get3A_33, %squeeze3A_169, %dot_general3A_170 {dimension_numbers = #tpu.dot_dimension_numbers<[1], [0], [0], [1], [0, 0, 1, 1], [], []>, precision = #tpu.contract_precision<fp32>, transpose_lhs_hint = false} : vector<256x256xf32>, vector<256x34xf32>, vector<256x34xf32> -> vector<256x34xf32>
    %stack3A_172 = vector.shape_cast %dot_general3A_159 : vector<256x34xf32> to vector<1x256x34xf32>
    %stack3A_173 = vector.shape_cast %dot_general3A_163 : vector<256x34xf32> to vector<1x256x34xf32>
    %stack3A_174 = vector.shape_cast %dot_general3A_167 : vector<256x34xf32> to vector<1x256x34xf32>
    %stack3A_175 = vector.shape_cast %dot_general3A_171 : vector<256x34xf32> to vector<1x256x34xf32>
    %stack3A_176 = tpu.concatenate %stack3A_172, %stack3A_173, %stack3A_174, %stack3A_175 in 0 : vector<1x256x34xf32>, vector<1x256x34xf32>, vector<1x256x34xf32>, vector<1x256x34xf32> -> vector<4x256x34xf32>
    %reshape3A_177 = vector.shape_cast %concatenate3A_155 : vector<4x256x34xf32> to vector<1024x34xf32>
    %reshape3A_178 = vector.shape_cast %stack3A_176 : vector<4x256x34xf32> to vector<1024x34xf32>
    %dot_general3A_179 = arith.constant dense<0.000000e+00> : vector<1024x64xf32>
    %dot_general3A_180 = tpu.matmul %reshape3A_177, %get3A_139, %dot_general3A_179 {dimension_numbers = #tpu.dot_dimension_numbers<[1], [0], [0], [1], [0, 0, 1, 1], [], []>, transpose_lhs_hint = false} : vector<1024x34xf32>, vector<34x64xf32>, vector<1024x64xf32> -> vector<1024x64xf32>
    %dot_general3A_181 = arith.constant dense<0.000000e+00> : vector<1024x64xf32>
    %dot_general3A_182 = tpu.matmul %reshape3A_178, %get3A_142, %dot_general3A_181 {dimension_numbers = #tpu.dot_dimension_numbers<[1], [0], [0], [1], [0, 0, 1, 1], [], []>, transpose_lhs_hint = false} : vector<1024x34xf32>, vector<34x64xf32>, vector<1024x64xf32> -> vector<1024x64xf32>
    %add3A_183 = arith.addf %dot_general3A_180, %dot_general3A_182 : vector<1024x64xf32>
    %add3A_184 = vector.broadcast %get3A_145 : vector<1x64xf32> to vector<1024x64xf32>
    %add3A_185 = arith.addf %add3A_183, %add3A_184 : vector<1024x64xf32>
    %logistic3A_186 = arith.negf %add3A_185 : vector<1024x64xf32>
    %logistic3A_187 = math.exp %logistic3A_186 : vector<1024x64xf32>
    %logistic3A_188 = arith.constant 1.000000e+00 : f32
    %logistic3A_189 = vector.broadcast %logistic3A_188 : f32 to vector<1024x64xf32>
    %logistic3A_190 = arith.addf %logistic3A_189, %logistic3A_187 : vector<1024x64xf32>
    %logistic3A_191 = arith.divf %logistic3A_189, %logistic3A_190 : vector<1024x64xf32>
    %slice3A_192 = vector.extract_strided_slice %logistic3A_191 {offsets = [0, 0], sizes = [1024, 32], strides = [1, 1]} : vector<1024x64xf32> to vector<1024x32xf32>
    %slice3A_193 = vector.extract_strided_slice %logistic3A_191 {offsets = [0, 32], sizes = [1024, 32], strides = [1, 1]} : vector<1024x64xf32> to vector<1024x32xf32>
    %reshape3A_194 = vector.shape_cast %reshape3A_130 : vector<4x256x32xf32> to vector<1024x32xf32>
    %mul3A_195 = arith.mulf %slice3A_192, %reshape3A_194 : vector<1024x32xf32>
    %reshape3A_196 = vector.shape_cast %get3A_136 : vector<4x256x2xf32> to vector<1024x2xf32>
    %concatenate3A_197 = tpu.concatenate %reshape3A_196, %mul3A_195 in 1 : vector<1024x2xf32>, vector<1024x32xf32> -> vector<1024x34xf32>
    %reshape3A_198 = vector.shape_cast %concatenate3A_197 : vector<1024x34xf32> to vector<4x256x34xf32>
    %slice3A_199 = vector.extract_strided_slice %reshape3A_198 {offsets = [0, 0, 0], sizes = [1, 256, 34], strides = [1, 1, 1]} : vector<4x256x34xf32> to vector<1x256x34xf32>
    %squeeze3A_200 = vector.shape_cast %slice3A_199 : vector<1x256x34xf32> to vector<256x34xf32>
    %dot_general3A_201 = arith.constant dense<0.000000e+00> : vector<256x34xf32>
    %dot_general3A_202 = tpu.matmul %get3A_33, %squeeze3A_200, %dot_general3A_201 {dimension_numbers = #tpu.dot_dimension_numbers<[1], [0], [0], [1], [0, 0, 1, 1], [], []>, precision = #tpu.contract_precision<fp32>, transpose_lhs_hint = false} : vector<256x256xf32>, vector<256x34xf32>, vector<256x34xf32> -> vector<256x34xf32>
    %slice3A_203 = vector.extract_strided_slice %reshape3A_198 {offsets = [1, 0, 0], sizes = [1, 256, 34], strides = [1, 1, 1]} : vector<4x256x34xf32> to vector<1x256x34xf32>
    %squeeze3A_204 = vector.shape_cast %slice3A_203 : vector<1x256x34xf32> to vector<256x34xf32>
    %dot_general3A_205 = arith.constant dense<0.000000e+00> : vector<256x34xf32>
    %dot_general3A_206 = tpu.matmul %get3A_33, %squeeze3A_204, %dot_general3A_205 {dimension_numbers = #tpu.dot_dimension_numbers<[1], [0], [0], [1], [0, 0, 1, 1], [], []>, precision = #tpu.contract_precision<fp32>, transpose_lhs_hint = false} : vector<256x256xf32>, vector<256x34xf32>, vector<256x34xf32> -> vector<256x34xf32>
    %slice3A_207 = vector.extract_strided_slice %reshape3A_198 {offsets = [2, 0, 0], sizes = [1, 256, 34], strides = [1, 1, 1]} : vector<4x256x34xf32> to vector<1x256x34xf32>
    %squeeze3A_208 = vector.shape_cast %slice3A_207 : vector<1x256x34xf32> to vector<256x34xf32>
    %dot_general3A_209 = arith.constant dense<0.000000e+00> : vector<256x34xf32>
    %dot_general3A_210 = tpu.matmul %get3A_33, %squeeze3A_208, %dot_general3A_209 {dimension_numbers = #tpu.dot_dimension_numbers<[1], [0], [0], [1], [0, 0, 1, 1], [], []>, precision = #tpu.contract_precision<fp32>, transpose_lhs_hint = false} : vector<256x256xf32>, vector<256x34xf32>, vector<256x34xf32> -> vector<256x34xf32>
    %slice3A_211 = vector.extract_strided_slice %reshape3A_198 {offsets = [3, 0, 0], sizes = [1, 256, 34], strides = [1, 1, 1]} : vector<4x256x34xf32> to vector<1x256x34xf32>
    %squeeze3A_212 = vector.shape_cast %slice3A_211 : vector<1x256x34xf32> to vector<256x34xf32>
    %dot_general3A_213 = arith.constant dense<0.000000e+00> : vector<256x34xf32>
    %dot_general3A_214 = tpu.matmul %get3A_33, %squeeze3A_212, %dot_general3A_213 {dimension_numbers = #tpu.dot_dimension_numbers<[1], [0], [0], [1], [0, 0, 1, 1], [], []>, precision = #tpu.contract_precision<fp32>, transpose_lhs_hint = false} : vector<256x256xf32>, vector<256x34xf32>, vector<256x34xf32> -> vector<256x34xf32>
    %stack3A_215 = vector.shape_cast %dot_general3A_202 : vector<256x34xf32> to vector<1x256x34xf32>
    %stack3A_216 = vector.shape_cast %dot_general3A_206 : vector<256x34xf32> to vector<1x256x34xf32>
    %stack3A_217 = vector.shape_cast %dot_general3A_210 : vector<256x34xf32> to vector<1x256x34xf32>
    %stack3A_218 = vector.shape_cast %dot_general3A_214 : vector<256x34xf32> to vector<1x256x34xf32>
    %stack3A_219 = tpu.concatenate %stack3A_215, %stack3A_216, %stack3A_217, %stack3A_218 in 0 : vector<1x256x34xf32>, vector<1x256x34xf32>, vector<1x256x34xf32>, vector<1x256x34xf32> -> vector<4x256x34xf32>
    %reshape3A_220 = vector.shape_cast %stack3A_219 : vector<4x256x34xf32> to vector<1024x34xf32>
    %dot_general3A_221 = arith.constant dense<0.000000e+00> : vector<1024x32xf32>
    %dot_general3A_222 = tpu.matmul %concatenate3A_197, %get3A_148, %dot_general3A_221 {dimension_numbers = #tpu.dot_dimension_numbers<[1], [0], [0], [1], [0, 0, 1, 1], [], []>, transpose_lhs_hint = false} : vector<1024x34xf32>, vector<34x32xf32>, vector<1024x32xf32> -> vector<1024x32xf32>
    %dot_general3A_223 = arith.constant dense<0.000000e+00> : vector<1024x32xf32>
    %dot_general3A_224 = tpu.matmul %reshape3A_220, %get3A_151, %dot_general3A_223 {dimension_numbers = #tpu.dot_dimension_numbers<[1], [0], [0], [1], [0, 0, 1, 1], [], []>, transpose_lhs_hint = false} : vector<1024x34xf32>, vector<34x32xf32>, vector<1024x32xf32> -> vector<1024x32xf32>
    %add3A_225 = arith.addf %dot_general3A_222, %dot_general3A_224 : vector<1024x32xf32>
    %add3A_226 = vector.broadcast %get3A_154 : vector<1x32xf32> to vector<1024x32xf32>
    %add3A_227 = arith.addf %add3A_225, %add3A_226 : vector<1024x32xf32>
    %tanh3A_228 = math.tanh %add3A_227 : vector<1024x32xf32>
    %mul3A_229 = arith.mulf %slice3A_193, %reshape3A_194 : vector<1024x32xf32>
    %sub3A_230 = arith.constant 1.000000e+00 : f32
    %sub3A_231 = vector.broadcast %sub3A_230 : f32 to vector<1024x32xf32>
    %sub3A_232 = arith.subf %sub3A_231, %slice3A_193 : vector<1024x32xf32>
    %mul3A_233 = arith.mulf %sub3A_232, %tanh3A_228 : vector<1024x32xf32>
    %add3A_234 = arith.addf %mul3A_229, %mul3A_233 : vector<1024x32xf32>
    %reshape3A_235 = vector.shape_cast %add3A_234 : vector<1024x32xf32> to vector<4x256x32xf32>
    %get3A_236 = arith.constant 2 : index
    %get3A_237 = arith.constant 0 : index
    %get3A_238 = arith.constant 0 : index
    %get3A_239 = arith.constant 0 : index
    %get3A_240 = vector.load %arg0[%get3A_236, %get3A_237, %get3A_238, %get3A_239] : memref<4x4x256x2xf32, #tpu.memory_space<vmem>>, vector<1x4x256x2xf32>
    %get3A_241 = vector.shape_cast %get3A_240 : vector<1x4x256x2xf32> to vector<4x256x2xf32>
    %get3A_242 = arith.constant 0 : index
    %get3A_243 = arith.constant 0 : index
    %get3A_244 = vector.load %arg10[%get3A_242, %get3A_243] : memref<34x64xf32, #tpu.memory_space<vmem>>, vector<34x64xf32>
    %get3A_245 = arith.constant 0 : index
    %get3A_246 = arith.constant 0 : index
    %get3A_247 = vector.load %arg11[%get3A_245, %get3A_246] : memref<34x64xf32, #tpu.memory_space<vmem>>, vector<34x64xf32>
    %get3A_248 = arith.constant 0 : index
    %get3A_249 = arith.constant 0 : index
    %get3A_250 = vector.load %arg12[%get3A_248, %get3A_249] : memref<1x64xf32, #tpu.memory_space<vmem>>, vector<1x64xf32>
    %get3A_251 = arith.constant 0 : index
    %get3A_252 = arith.constant 0 : index
    %get3A_253 = vector.load %arg13[%get3A_251, %get3A_252] : memref<34x32xf32, #tpu.memory_space<vmem>>, vector<34x32xf32>
    %get3A_254 = arith.constant 0 : index
    %get3A_255 = arith.constant 0 : index
    %get3A_256 = vector.load %arg14[%get3A_254, %get3A_255] : memref<34x32xf32, #tpu.memory_space<vmem>>, vector<34x32xf32>
    %get3A_257 = arith.constant 0 : index
    %get3A_258 = arith.constant 0 : index
    %get3A_259 = vector.load %arg15[%get3A_257, %get3A_258] : memref<1x32xf32, #tpu.memory_space<vmem>>, vector<1x32xf32>
    %concatenate3A_260 = tpu.concatenate %get3A_241, %reshape3A_235 in 2 : vector<4x256x2xf32>, vector<4x256x32xf32> -> vector<4x256x34xf32>
    %slice3A_261 = vector.extract_strided_slice %concatenate3A_260 {offsets = [0, 0, 0], sizes = [1, 256, 34], strides = [1, 1, 1]} : vector<4x256x34xf32> to vector<1x256x34xf32>
    %squeeze3A_262 = vector.shape_cast %slice3A_261 : vector<1x256x34xf32> to vector<256x34xf32>
    %dot_general3A_263 = arith.constant dense<0.000000e+00> : vector<256x34xf32>
    %dot_general3A_264 = tpu.matmul %get3A_33, %squeeze3A_262, %dot_general3A_263 {dimension_numbers = #tpu.dot_dimension_numbers<[1], [0], [0], [1], [0, 0, 1, 1], [], []>, precision = #tpu.contract_precision<fp32>, transpose_lhs_hint = false} : vector<256x256xf32>, vector<256x34xf32>, vector<256x34xf32> -> vector<256x34xf32>
    %slice3A_265 = vector.extract_strided_slice %concatenate3A_260 {offsets = [1, 0, 0], sizes = [1, 256, 34], strides = [1, 1, 1]} : vector<4x256x34xf32> to vector<1x256x34xf32>
    %squeeze3A_266 = vector.shape_cast %slice3A_265 : vector<1x256x34xf32> to vector<256x34xf32>
    %dot_general3A_267 = arith.constant dense<0.000000e+00> : vector<256x34xf32>
    %dot_general3A_268 = tpu.matmul %get3A_33, %squeeze3A_266, %dot_general3A_267 {dimension_numbers = #tpu.dot_dimension_numbers<[1], [0], [0], [1], [0, 0, 1, 1], [], []>, precision = #tpu.contract_precision<fp32>, transpose_lhs_hint = false} : vector<256x256xf32>, vector<256x34xf32>, vector<256x34xf32> -> vector<256x34xf32>
    %slice3A_269 = vector.extract_strided_slice %concatenate3A_260 {offsets = [2, 0, 0], sizes = [1, 256, 34], strides = [1, 1, 1]} : vector<4x256x34xf32> to vector<1x256x34xf32>
    %squeeze3A_270 = vector.shape_cast %slice3A_269 : vector<1x256x34xf32> to vector<256x34xf32>
    %dot_general3A_271 = arith.constant dense<0.000000e+00> : vector<256x34xf32>
    %dot_general3A_272 = tpu.matmul %get3A_33, %squeeze3A_270, %dot_general3A_271 {dimension_numbers = #tpu.dot_dimension_numbers<[1], [0], [0], [1], [0, 0, 1, 1], [], []>, precision = #tpu.contract_precision<fp32>, transpose_lhs_hint = false} : vector<256x256xf32>, vector<256x34xf32>, vector<256x34xf32> -> vector<256x34xf32>
    %slice3A_273 = vector.extract_strided_slice %concatenate3A_260 {offsets = [3, 0, 0], sizes = [1, 256, 34], strides = [1, 1, 1]} : vector<4x256x34xf32> to vector<1x256x34xf32>
    %squeeze3A_274 = vector.shape_cast %slice3A_273 : vector<1x256x34xf32> to vector<256x34xf32>
    %dot_general3A_275 = arith.constant dense<0.000000e+00> : vector<256x34xf32>
    %dot_general3A_276 = tpu.matmul %get3A_33, %squeeze3A_274, %dot_general3A_275 {dimension_numbers = #tpu.dot_dimension_numbers<[1], [0], [0], [1], [0, 0, 1, 1], [], []>, precision = #tpu.contract_precision<fp32>, transpose_lhs_hint = false} : vector<256x256xf32>, vector<256x34xf32>, vector<256x34xf32> -> vector<256x34xf32>
    %stack3A_277 = vector.shape_cast %dot_general3A_264 : vector<256x34xf32> to vector<1x256x34xf32>
    %stack3A_278 = vector.shape_cast %dot_general3A_268 : vector<256x34xf32> to vector<1x256x34xf32>
    %stack3A_279 = vector.shape_cast %dot_general3A_272 : vector<256x34xf32> to vector<1x256x34xf32>
    %stack3A_280 = vector.shape_cast %dot_general3A_276 : vector<256x34xf32> to vector<1x256x34xf32>
    %stack3A_281 = tpu.concatenate %stack3A_277, %stack3A_278, %stack3A_279, %stack3A_280 in 0 : vector<1x256x34xf32>, vector<1x256x34xf32>, vector<1x256x34xf32>, vector<1x256x34xf32> -> vector<4x256x34xf32>
    %reshape3A_282 = vector.shape_cast %concatenate3A_260 : vector<4x256x34xf32> to vector<1024x34xf32>
    %reshape3A_283 = vector.shape_cast %stack3A_281 : vector<4x256x34xf32> to vector<1024x34xf32>
    %dot_general3A_284 = arith.constant dense<0.000000e+00> : vector<1024x64xf32>
    %dot_general3A_285 = tpu.matmul %reshape3A_282, %get3A_244, %dot_general3A_284 {dimension_numbers = #tpu.dot_dimension_numbers<[1], [0], [0], [1], [0, 0, 1, 1], [], []>, transpose_lhs_hint = false} : vector<1024x34xf32>, vector<34x64xf32>, vector<1024x64xf32> -> vector<1024x64xf32>
    %dot_general3A_286 = arith.constant dense<0.000000e+00> : vector<1024x64xf32>
    %dot_general3A_287 = tpu.matmul %reshape3A_283, %get3A_247, %dot_general3A_286 {dimension_numbers = #tpu.dot_dimension_numbers<[1], [0], [0], [1], [0, 0, 1, 1], [], []>, transpose_lhs_hint = false} : vector<1024x34xf32>, vector<34x64xf32>, vector<1024x64xf32> -> vector<1024x64xf32>
    %add3A_288 = arith.addf %dot_general3A_285, %dot_general3A_287 : vector<1024x64xf32>
    %add3A_289 = vector.broadcast %get3A_250 : vector<1x64xf32> to vector<1024x64xf32>
    %add3A_290 = arith.addf %add3A_288, %add3A_289 : vector<1024x64xf32>
    %logistic3A_291 = arith.negf %add3A_290 : vector<1024x64xf32>
    %logistic3A_292 = math.exp %logistic3A_291 : vector<1024x64xf32>
    %logistic3A_293 = arith.constant 1.000000e+00 : f32
    %logistic3A_294 = vector.broadcast %logistic3A_293 : f32 to vector<1024x64xf32>
    %logistic3A_295 = arith.addf %logistic3A_294, %logistic3A_292 : vector<1024x64xf32>
    %logistic3A_296 = arith.divf %logistic3A_294, %logistic3A_295 : vector<1024x64xf32>
    %slice3A_297 = vector.extract_strided_slice %logistic3A_296 {offsets = [0, 0], sizes = [1024, 32], strides = [1, 1]} : vector<1024x64xf32> to vector<1024x32xf32>
    %slice3A_298 = vector.extract_strided_slice %logistic3A_296 {offsets = [0, 32], sizes = [1024, 32], strides = [1, 1]} : vector<1024x64xf32> to vector<1024x32xf32>
    %reshape3A_299 = vector.shape_cast %reshape3A_235 : vector<4x256x32xf32> to vector<1024x32xf32>
    %mul3A_300 = arith.mulf %slice3A_297, %reshape3A_299 : vector<1024x32xf32>
    %reshape3A_301 = vector.shape_cast %get3A_241 : vector<4x256x2xf32> to vector<1024x2xf32>
    %concatenate3A_302 = tpu.concatenate %reshape3A_301, %mul3A_300 in 1 : vector<1024x2xf32>, vector<1024x32xf32> -> vector<1024x34xf32>
    %reshape3A_303 = vector.shape_cast %concatenate3A_302 : vector<1024x34xf32> to vector<4x256x34xf32>
    %slice3A_304 = vector.extract_strided_slice %reshape3A_303 {offsets = [0, 0, 0], sizes = [1, 256, 34], strides = [1, 1, 1]} : vector<4x256x34xf32> to vector<1x256x34xf32>
    %squeeze3A_305 = vector.shape_cast %slice3A_304 : vector<1x256x34xf32> to vector<256x34xf32>
    %dot_general3A_306 = arith.constant dense<0.000000e+00> : vector<256x34xf32>
    %dot_general3A_307 = tpu.matmul %get3A_33, %squeeze3A_305, %dot_general3A_306 {dimension_numbers = #tpu.dot_dimension_numbers<[1], [0], [0], [1], [0, 0, 1, 1], [], []>, precision = #tpu.contract_precision<fp32>, transpose_lhs_hint = false} : vector<256x256xf32>, vector<256x34xf32>, vector<256x34xf32> -> vector<256x34xf32>
    %slice3A_308 = vector.extract_strided_slice %reshape3A_303 {offsets = [1, 0, 0], sizes = [1, 256, 34], strides = [1, 1, 1]} : vector<4x256x34xf32> to vector<1x256x34xf32>
    %squeeze3A_309 = vector.shape_cast %slice3A_308 : vector<1x256x34xf32> to vector<256x34xf32>
    %dot_general3A_310 = arith.constant dense<0.000000e+00> : vector<256x34xf32>
    %dot_general3A_311 = tpu.matmul %get3A_33, %squeeze3A_309, %dot_general3A_310 {dimension_numbers = #tpu.dot_dimension_numbers<[1], [0], [0], [1], [0, 0, 1, 1], [], []>, precision = #tpu.contract_precision<fp32>, transpose_lhs_hint = false} : vector<256x256xf32>, vector<256x34xf32>, vector<256x34xf32> -> vector<256x34xf32>
    %slice3A_312 = vector.extract_strided_slice %reshape3A_303 {offsets = [2, 0, 0], sizes = [1, 256, 34], strides = [1, 1, 1]} : vector<4x256x34xf32> to vector<1x256x34xf32>
    %squeeze3A_313 = vector.shape_cast %slice3A_312 : vector<1x256x34xf32> to vector<256x34xf32>
    %dot_general3A_314 = arith.constant dense<0.000000e+00> : vector<256x34xf32>
    %dot_general3A_315 = tpu.matmul %get3A_33, %squeeze3A_313, %dot_general3A_314 {dimension_numbers = #tpu.dot_dimension_numbers<[1], [0], [0], [1], [0, 0, 1, 1], [], []>, precision = #tpu.contract_precision<fp32>, transpose_lhs_hint = false} : vector<256x256xf32>, vector<256x34xf32>, vector<256x34xf32> -> vector<256x34xf32>
    %slice3A_316 = vector.extract_strided_slice %reshape3A_303 {offsets = [3, 0, 0], sizes = [1, 256, 34], strides = [1, 1, 1]} : vector<4x256x34xf32> to vector<1x256x34xf32>
    %squeeze3A_317 = vector.shape_cast %slice3A_316 : vector<1x256x34xf32> to vector<256x34xf32>
    %dot_general3A_318 = arith.constant dense<0.000000e+00> : vector<256x34xf32>
    %dot_general3A_319 = tpu.matmul %get3A_33, %squeeze3A_317, %dot_general3A_318 {dimension_numbers = #tpu.dot_dimension_numbers<[1], [0], [0], [1], [0, 0, 1, 1], [], []>, precision = #tpu.contract_precision<fp32>, transpose_lhs_hint = false} : vector<256x256xf32>, vector<256x34xf32>, vector<256x34xf32> -> vector<256x34xf32>
    %stack3A_320 = vector.shape_cast %dot_general3A_307 : vector<256x34xf32> to vector<1x256x34xf32>
    %stack3A_321 = vector.shape_cast %dot_general3A_311 : vector<256x34xf32> to vector<1x256x34xf32>
    %stack3A_322 = vector.shape_cast %dot_general3A_315 : vector<256x34xf32> to vector<1x256x34xf32>
    %stack3A_323 = vector.shape_cast %dot_general3A_319 : vector<256x34xf32> to vector<1x256x34xf32>
    %stack3A_324 = tpu.concatenate %stack3A_320, %stack3A_321, %stack3A_322, %stack3A_323 in 0 : vector<1x256x34xf32>, vector<1x256x34xf32>, vector<1x256x34xf32>, vector<1x256x34xf32> -> vector<4x256x34xf32>
    %reshape3A_325 = vector.shape_cast %stack3A_324 : vector<4x256x34xf32> to vector<1024x34xf32>
    %dot_general3A_326 = arith.constant dense<0.000000e+00> : vector<1024x32xf32>
    %dot_general3A_327 = tpu.matmul %concatenate3A_302, %get3A_253, %dot_general3A_326 {dimension_numbers = #tpu.dot_dimension_numbers<[1], [0], [0], [1], [0, 0, 1, 1], [], []>, transpose_lhs_hint = false} : vector<1024x34xf32>, vector<34x32xf32>, vector<1024x32xf32> -> vector<1024x32xf32>
    %dot_general3A_328 = arith.constant dense<0.000000e+00> : vector<1024x32xf32>
    %dot_general3A_329 = tpu.matmul %reshape3A_325, %get3A_256, %dot_general3A_328 {dimension_numbers = #tpu.dot_dimension_numbers<[1], [0], [0], [1], [0, 0, 1, 1], [], []>, transpose_lhs_hint = false} : vector<1024x34xf32>, vector<34x32xf32>, vector<1024x32xf32> -> vector<1024x32xf32>
    %add3A_330 = arith.addf %dot_general3A_327, %dot_general3A_329 : vector<1024x32xf32>
    %add3A_331 = vector.broadcast %get3A_259 : vector<1x32xf32> to vector<1024x32xf32>
    %add3A_332 = arith.addf %add3A_330, %add3A_331 : vector<1024x32xf32>
    %tanh3A_333 = math.tanh %add3A_332 : vector<1024x32xf32>
    %mul3A_334 = arith.mulf %slice3A_298, %reshape3A_299 : vector<1024x32xf32>
    %sub3A_335 = arith.constant 1.000000e+00 : f32
    %sub3A_336 = vector.broadcast %sub3A_335 : f32 to vector<1024x32xf32>
    %sub3A_337 = arith.subf %sub3A_336, %slice3A_298 : vector<1024x32xf32>
    %mul3A_338 = arith.mulf %sub3A_337, %tanh3A_333 : vector<1024x32xf32>
    %add3A_339 = arith.addf %mul3A_334, %mul3A_338 : vector<1024x32xf32>
    %reshape3A_340 = vector.shape_cast %add3A_339 : vector<1024x32xf32> to vector<4x256x32xf32>
    %get3A_341 = arith.constant 3 : index
    %get3A_342 = arith.constant 0 : index
    %get3A_343 = arith.constant 0 : index
    %get3A_344 = arith.constant 0 : index
    %get3A_345 = vector.load %arg0[%get3A_341, %get3A_342, %get3A_343, %get3A_344] : memref<4x4x256x2xf32, #tpu.memory_space<vmem>>, vector<1x4x256x2xf32>
    %get3A_346 = vector.shape_cast %get3A_345 : vector<1x4x256x2xf32> to vector<4x256x2xf32>
    %get3A_347 = arith.constant 0 : index
    %get3A_348 = arith.constant 0 : index
    %get3A_349 = vector.load %arg10[%get3A_347, %get3A_348] : memref<34x64xf32, #tpu.memory_space<vmem>>, vector<34x64xf32>
    %get3A_350 = arith.constant 0 : index
    %get3A_351 = arith.constant 0 : index
    %get3A_352 = vector.load %arg11[%get3A_350, %get3A_351] : memref<34x64xf32, #tpu.memory_space<vmem>>, vector<34x64xf32>
    %get3A_353 = arith.constant 0 : index
    %get3A_354 = arith.constant 0 : index
    %get3A_355 = vector.load %arg12[%get3A_353, %get3A_354] : memref<1x64xf32, #tpu.memory_space<vmem>>, vector<1x64xf32>
    %get3A_356 = arith.constant 0 : index
    %get3A_357 = arith.constant 0 : index
    %get3A_358 = vector.load %arg13[%get3A_356, %get3A_357] : memref<34x32xf32, #tpu.memory_space<vmem>>, vector<34x32xf32>
    %get3A_359 = arith.constant 0 : index
    %get3A_360 = arith.constant 0 : index
    %get3A_361 = vector.load %arg14[%get3A_359, %get3A_360] : memref<34x32xf32, #tpu.memory_space<vmem>>, vector<34x32xf32>
    %get3A_362 = arith.constant 0 : index
    %get3A_363 = arith.constant 0 : index
    %get3A_364 = vector.load %arg15[%get3A_362, %get3A_363] : memref<1x32xf32, #tpu.memory_space<vmem>>, vector<1x32xf32>
    %concatenate3A_365 = tpu.concatenate %get3A_346, %reshape3A_340 in 2 : vector<4x256x2xf32>, vector<4x256x32xf32> -> vector<4x256x34xf32>
    %slice3A_366 = vector.extract_strided_slice %concatenate3A_365 {offsets = [0, 0, 0], sizes = [1, 256, 34], strides = [1, 1, 1]} : vector<4x256x34xf32> to vector<1x256x34xf32>
    %squeeze3A_367 = vector.shape_cast %slice3A_366 : vector<1x256x34xf32> to vector<256x34xf32>
    %dot_general3A_368 = arith.constant dense<0.000000e+00> : vector<256x34xf32>
    %dot_general3A_369 = tpu.matmul %get3A_33, %squeeze3A_367, %dot_general3A_368 {dimension_numbers = #tpu.dot_dimension_numbers<[1], [0], [0], [1], [0, 0, 1, 1], [], []>, precision = #tpu.contract_precision<fp32>, transpose_lhs_hint = false} : vector<256x256xf32>, vector<256x34xf32>, vector<256x34xf32> -> vector<256x34xf32>
    %slice3A_370 = vector.extract_strided_slice %concatenate3A_365 {offsets = [1, 0, 0], sizes = [1, 256, 34], strides = [1, 1, 1]} : vector<4x256x34xf32> to vector<1x256x34xf32>
    %squeeze3A_371 = vector.shape_cast %slice3A_370 : vector<1x256x34xf32> to vector<256x34xf32>
    %dot_general3A_372 = arith.constant dense<0.000000e+00> : vector<256x34xf32>
    %dot_general3A_373 = tpu.matmul %get3A_33, %squeeze3A_371, %dot_general3A_372 {dimension_numbers = #tpu.dot_dimension_numbers<[1], [0], [0], [1], [0, 0, 1, 1], [], []>, precision = #tpu.contract_precision<fp32>, transpose_lhs_hint = false} : vector<256x256xf32>, vector<256x34xf32>, vector<256x34xf32> -> vector<256x34xf32>
    %slice3A_374 = vector.extract_strided_slice %concatenate3A_365 {offsets = [2, 0, 0], sizes = [1, 256, 34], strides = [1, 1, 1]} : vector<4x256x34xf32> to vector<1x256x34xf32>
    %squeeze3A_375 = vector.shape_cast %slice3A_374 : vector<1x256x34xf32> to vector<256x34xf32>
    %dot_general3A_376 = arith.constant dense<0.000000e+00> : vector<256x34xf32>
    %dot_general3A_377 = tpu.matmul %get3A_33, %squeeze3A_375, %dot_general3A_376 {dimension_numbers = #tpu.dot_dimension_numbers<[1], [0], [0], [1], [0, 0, 1, 1], [], []>, precision = #tpu.contract_precision<fp32>, transpose_lhs_hint = false} : vector<256x256xf32>, vector<256x34xf32>, vector<256x34xf32> -> vector<256x34xf32>
    %slice3A_378 = vector.extract_strided_slice %concatenate3A_365 {offsets = [3, 0, 0], sizes = [1, 256, 34], strides = [1, 1, 1]} : vector<4x256x34xf32> to vector<1x256x34xf32>
    %squeeze3A_379 = vector.shape_cast %slice3A_378 : vector<1x256x34xf32> to vector<256x34xf32>
    %dot_general3A_380 = arith.constant dense<0.000000e+00> : vector<256x34xf32>
    %dot_general3A_381 = tpu.matmul %get3A_33, %squeeze3A_379, %dot_general3A_380 {dimension_numbers = #tpu.dot_dimension_numbers<[1], [0], [0], [1], [0, 0, 1, 1], [], []>, precision = #tpu.contract_precision<fp32>, transpose_lhs_hint = false} : vector<256x256xf32>, vector<256x34xf32>, vector<256x34xf32> -> vector<256x34xf32>
    %stack3A_382 = vector.shape_cast %dot_general3A_369 : vector<256x34xf32> to vector<1x256x34xf32>
    %stack3A_383 = vector.shape_cast %dot_general3A_373 : vector<256x34xf32> to vector<1x256x34xf32>
    %stack3A_384 = vector.shape_cast %dot_general3A_377 : vector<256x34xf32> to vector<1x256x34xf32>
    %stack3A_385 = vector.shape_cast %dot_general3A_381 : vector<256x34xf32> to vector<1x256x34xf32>
    %stack3A_386 = tpu.concatenate %stack3A_382, %stack3A_383, %stack3A_384, %stack3A_385 in 0 : vector<1x256x34xf32>, vector<1x256x34xf32>, vector<1x256x34xf32>, vector<1x256x34xf32> -> vector<4x256x34xf32>
    %reshape3A_387 = vector.shape_cast %concatenate3A_365 : vector<4x256x34xf32> to vector<1024x34xf32>
    %reshape3A_388 = vector.shape_cast %stack3A_386 : vector<4x256x34xf32> to vector<1024x34xf32>
    %dot_general3A_389 = arith.constant dense<0.000000e+00> : vector<1024x64xf32>
    %dot_general3A_390 = tpu.matmul %reshape3A_387, %get3A_349, %dot_general3A_389 {dimension_numbers = #tpu.dot_dimension_numbers<[1], [0], [0], [1], [0, 0, 1, 1], [], []>, transpose_lhs_hint = false} : vector<1024x34xf32>, vector<34x64xf32>, vector<1024x64xf32> -> vector<1024x64xf32>
    %dot_general3A_391 = arith.constant dense<0.000000e+00> : vector<1024x64xf32>
    %dot_general3A_392 = tpu.matmul %reshape3A_388, %get3A_352, %dot_general3A_391 {dimension_numbers = #tpu.dot_dimension_numbers<[1], [0], [0], [1], [0, 0, 1, 1], [], []>, transpose_lhs_hint = false} : vector<1024x34xf32>, vector<34x64xf32>, vector<1024x64xf32> -> vector<1024x64xf32>
    %add3A_393 = arith.addf %dot_general3A_390, %dot_general3A_392 : vector<1024x64xf32>
    %add3A_394 = vector.broadcast %get3A_355 : vector<1x64xf32> to vector<1024x64xf32>
    %add3A_395 = arith.addf %add3A_393, %add3A_394 : vector<1024x64xf32>
    %logistic3A_396 = arith.negf %add3A_395 : vector<1024x64xf32>
    %logistic3A_397 = math.exp %logistic3A_396 : vector<1024x64xf32>
    %logistic3A_398 = arith.constant 1.000000e+00 : f32
    %logistic3A_399 = vector.broadcast %logistic3A_398 : f32 to vector<1024x64xf32>
    %logistic3A_400 = arith.addf %logistic3A_399, %logistic3A_397 : vector<1024x64xf32>
    %logistic3A_401 = arith.divf %logistic3A_399, %logistic3A_400 : vector<1024x64xf32>
    %slice3A_402 = vector.extract_strided_slice %logistic3A_401 {offsets = [0, 0], sizes = [1024, 32], strides = [1, 1]} : vector<1024x64xf32> to vector<1024x32xf32>
    %slice3A_403 = vector.extract_strided_slice %logistic3A_401 {offsets = [0, 32], sizes = [1024, 32], strides = [1, 1]} : vector<1024x64xf32> to vector<1024x32xf32>
    %reshape3A_404 = vector.shape_cast %reshape3A_340 : vector<4x256x32xf32> to vector<1024x32xf32>
    %mul3A_405 = arith.mulf %slice3A_402, %reshape3A_404 : vector<1024x32xf32>
    %reshape3A_406 = vector.shape_cast %get3A_346 : vector<4x256x2xf32> to vector<1024x2xf32>
    %concatenate3A_407 = tpu.concatenate %reshape3A_406, %mul3A_405 in 1 : vector<1024x2xf32>, vector<1024x32xf32> -> vector<1024x34xf32>
    %reshape3A_408 = vector.shape_cast %concatenate3A_407 : vector<1024x34xf32> to vector<4x256x34xf32>
    %slice3A_409 = vector.extract_strided_slice %reshape3A_408 {offsets = [0, 0, 0], sizes = [1, 256, 34], strides = [1, 1, 1]} : vector<4x256x34xf32> to vector<1x256x34xf32>
    %squeeze3A_410 = vector.shape_cast %slice3A_409 : vector<1x256x34xf32> to vector<256x34xf32>
    %dot_general3A_411 = arith.constant dense<0.000000e+00> : vector<256x34xf32>
    %dot_general3A_412 = tpu.matmul %get3A_33, %squeeze3A_410, %dot_general3A_411 {dimension_numbers = #tpu.dot_dimension_numbers<[1], [0], [0], [1], [0, 0, 1, 1], [], []>, precision = #tpu.contract_precision<fp32>, transpose_lhs_hint = false} : vector<256x256xf32>, vector<256x34xf32>, vector<256x34xf32> -> vector<256x34xf32>
    %slice3A_413 = vector.extract_strided_slice %reshape3A_408 {offsets = [1, 0, 0], sizes = [1, 256, 34], strides = [1, 1, 1]} : vector<4x256x34xf32> to vector<1x256x34xf32>
    %squeeze3A_414 = vector.shape_cast %slice3A_413 : vector<1x256x34xf32> to vector<256x34xf32>
    %dot_general3A_415 = arith.constant dense<0.000000e+00> : vector<256x34xf32>
    %dot_general3A_416 = tpu.matmul %get3A_33, %squeeze3A_414, %dot_general3A_415 {dimension_numbers = #tpu.dot_dimension_numbers<[1], [0], [0], [1], [0, 0, 1, 1], [], []>, precision = #tpu.contract_precision<fp32>, transpose_lhs_hint = false} : vector<256x256xf32>, vector<256x34xf32>, vector<256x34xf32> -> vector<256x34xf32>
    %slice3A_417 = vector.extract_strided_slice %reshape3A_408 {offsets = [2, 0, 0], sizes = [1, 256, 34], strides = [1, 1, 1]} : vector<4x256x34xf32> to vector<1x256x34xf32>
    %squeeze3A_418 = vector.shape_cast %slice3A_417 : vector<1x256x34xf32> to vector<256x34xf32>
    %dot_general3A_419 = arith.constant dense<0.000000e+00> : vector<256x34xf32>
    %dot_general3A_420 = tpu.matmul %get3A_33, %squeeze3A_418, %dot_general3A_419 {dimension_numbers = #tpu.dot_dimension_numbers<[1], [0], [0], [1], [0, 0, 1, 1], [], []>, precision = #tpu.contract_precision<fp32>, transpose_lhs_hint = false} : vector<256x256xf32>, vector<256x34xf32>, vector<256x34xf32> -> vector<256x34xf32>
    %slice3A_421 = vector.extract_strided_slice %reshape3A_408 {offsets = [3, 0, 0], sizes = [1, 256, 34], strides = [1, 1, 1]} : vector<4x256x34xf32> to vector<1x256x34xf32>
    %squeeze3A_422 = vector.shape_cast %slice3A_421 : vector<1x256x34xf32> to vector<256x34xf32>
    %dot_general3A_423 = arith.constant dense<0.000000e+00> : vector<256x34xf32>
    %dot_general3A_424 = tpu.matmul %get3A_33, %squeeze3A_422, %dot_general3A_423 {dimension_numbers = #tpu.dot_dimension_numbers<[1], [0], [0], [1], [0, 0, 1, 1], [], []>, precision = #tpu.contract_precision<fp32>, transpose_lhs_hint = false} : vector<256x256xf32>, vector<256x34xf32>, vector<256x34xf32> -> vector<256x34xf32>
    %stack3A_425 = vector.shape_cast %dot_general3A_412 : vector<256x34xf32> to vector<1x256x34xf32>
    %stack3A_426 = vector.shape_cast %dot_general3A_416 : vector<256x34xf32> to vector<1x256x34xf32>
    %stack3A_427 = vector.shape_cast %dot_general3A_420 : vector<256x34xf32> to vector<1x256x34xf32>
    %stack3A_428 = vector.shape_cast %dot_general3A_424 : vector<256x34xf32> to vector<1x256x34xf32>
    %stack3A_429 = tpu.concatenate %stack3A_425, %stack3A_426, %stack3A_427, %stack3A_428 in 0 : vector<1x256x34xf32>, vector<1x256x34xf32>, vector<1x256x34xf32>, vector<1x256x34xf32> -> vector<4x256x34xf32>
    %reshape3A_430 = vector.shape_cast %stack3A_429 : vector<4x256x34xf32> to vector<1024x34xf32>
    %dot_general3A_431 = arith.constant dense<0.000000e+00> : vector<1024x32xf32>
    %dot_general3A_432 = tpu.matmul %concatenate3A_407, %get3A_358, %dot_general3A_431 {dimension_numbers = #tpu.dot_dimension_numbers<[1], [0], [0], [1], [0, 0, 1, 1], [], []>, transpose_lhs_hint = false} : vector<1024x34xf32>, vector<34x32xf32>, vector<1024x32xf32> -> vector<1024x32xf32>
    %dot_general3A_433 = arith.constant dense<0.000000e+00> : vector<1024x32xf32>
    %dot_general3A_434 = tpu.matmul %reshape3A_430, %get3A_361, %dot_general3A_433 {dimension_numbers = #tpu.dot_dimension_numbers<[1], [0], [0], [1], [0, 0, 1, 1], [], []>, transpose_lhs_hint = false} : vector<1024x34xf32>, vector<34x32xf32>, vector<1024x32xf32> -> vector<1024x32xf32>
    %add3A_435 = arith.addf %dot_general3A_432, %dot_general3A_434 : vector<1024x32xf32>
    %add3A_436 = vector.broadcast %get3A_364 : vector<1x32xf32> to vector<1024x32xf32>
    %add3A_437 = arith.addf %add3A_435, %add3A_436 : vector<1024x32xf32>
    %tanh3A_438 = math.tanh %add3A_437 : vector<1024x32xf32>
    %mul3A_439 = arith.mulf %slice3A_403, %reshape3A_404 : vector<1024x32xf32>
    %sub3A_440 = arith.constant 1.000000e+00 : f32
    %sub3A_441 = vector.broadcast %sub3A_440 : f32 to vector<1024x32xf32>
    %sub3A_442 = arith.subf %sub3A_441, %slice3A_403 : vector<1024x32xf32>
    %mul3A_443 = arith.mulf %sub3A_442, %tanh3A_438 : vector<1024x32xf32>
    %add3A_444 = arith.addf %mul3A_439, %mul3A_443 : vector<1024x32xf32>
    %reshape3A_445 = vector.shape_cast %add3A_444 : vector<1024x32xf32> to vector<4x256x32xf32>
    %broadcast_in_dim3A_446 = arith.constant 0.000000e+00 : f32
    %broadcast_in_dim3A_447 = vector.broadcast %broadcast_in_dim3A_446 : f32 to vector<4x256x1xf32>
    %get3A_448 = arith.constant 0 : index
    %get3A_449 = arith.constant 0 : index
    %get3A_450 = vector.load %arg16[%get3A_448, %get3A_449] : memref<33x64xf32, #tpu.memory_space<vmem>>, vector<33x64xf32>
    %get3A_451 = arith.constant 0 : index
    %get3A_452 = arith.constant 0 : index
    %get3A_453 = vector.load %arg17[%get3A_451, %get3A_452] : memref<33x64xf32, #tpu.memory_space<vmem>>, vector<33x64xf32>
    %get3A_454 = arith.constant 0 : index
    %get3A_455 = arith.constant 0 : index
    %get3A_456 = vector.load %arg18[%get3A_454, %get3A_455] : memref<1x64xf32, #tpu.memory_space<vmem>>, vector<1x64xf32>
    %get3A_457 = arith.constant 0 : index
    %get3A_458 = arith.constant 0 : index
    %get3A_459 = vector.load %arg19[%get3A_457, %get3A_458] : memref<33x32xf32, #tpu.memory_space<vmem>>, vector<33x32xf32>
    %get3A_460 = arith.constant 0 : index
    %get3A_461 = arith.constant 0 : index
    %get3A_462 = vector.load %arg20[%get3A_460, %get3A_461] : memref<33x32xf32, #tpu.memory_space<vmem>>, vector<33x32xf32>
    %get3A_463 = arith.constant 0 : index
    %get3A_464 = arith.constant 0 : index
    %get3A_465 = vector.load %arg21[%get3A_463, %get3A_464] : memref<1x32xf32, #tpu.memory_space<vmem>>, vector<1x32xf32>
    %concatenate3A_466 = tpu.concatenate %broadcast_in_dim3A_447, %reshape3A_445 in 2 : vector<4x256x1xf32>, vector<4x256x32xf32> -> vector<4x256x33xf32>
    %slice3A_467 = vector.extract_strided_slice %concatenate3A_466 {offsets = [0, 0, 0], sizes = [1, 256, 33], strides = [1, 1, 1]} : vector<4x256x33xf32> to vector<1x256x33xf32>
    %squeeze3A_468 = vector.shape_cast %slice3A_467 : vector<1x256x33xf32> to vector<256x33xf32>
    %dot_general3A_469 = arith.constant dense<0.000000e+00> : vector<256x33xf32>
    %dot_general3A_470 = tpu.matmul %get3A_33, %squeeze3A_468, %dot_general3A_469 {dimension_numbers = #tpu.dot_dimension_numbers<[1], [0], [0], [1], [0, 0, 1, 1], [], []>, precision = #tpu.contract_precision<fp32>, transpose_lhs_hint = false} : vector<256x256xf32>, vector<256x33xf32>, vector<256x33xf32> -> vector<256x33xf32>
    %slice3A_471 = vector.extract_strided_slice %concatenate3A_466 {offsets = [1, 0, 0], sizes = [1, 256, 33], strides = [1, 1, 1]} : vector<4x256x33xf32> to vector<1x256x33xf32>
    %squeeze3A_472 = vector.shape_cast %slice3A_471 : vector<1x256x33xf32> to vector<256x33xf32>
    %dot_general3A_473 = arith.constant dense<0.000000e+00> : vector<256x33xf32>
    %dot_general3A_474 = tpu.matmul %get3A_33, %squeeze3A_472, %dot_general3A_473 {dimension_numbers = #tpu.dot_dimension_numbers<[1], [0], [0], [1], [0, 0, 1, 1], [], []>, precision = #tpu.contract_precision<fp32>, transpose_lhs_hint = false} : vector<256x256xf32>, vector<256x33xf32>, vector<256x33xf32> -> vector<256x33xf32>
    %slice3A_475 = vector.extract_strided_slice %concatenate3A_466 {offsets = [2, 0, 0], sizes = [1, 256, 33], strides = [1, 1, 1]} : vector<4x256x33xf32> to vector<1x256x33xf32>
    %squeeze3A_476 = vector.shape_cast %slice3A_475 : vector<1x256x33xf32> to vector<256x33xf32>
    %dot_general3A_477 = arith.constant dense<0.000000e+00> : vector<256x33xf32>
    %dot_general3A_478 = tpu.matmul %get3A_33, %squeeze3A_476, %dot_general3A_477 {dimension_numbers = #tpu.dot_dimension_numbers<[1], [0], [0], [1], [0, 0, 1, 1], [], []>, precision = #tpu.contract_precision<fp32>, transpose_lhs_hint = false} : vector<256x256xf32>, vector<256x33xf32>, vector<256x33xf32> -> vector<256x33xf32>
    %slice3A_479 = vector.extract_strided_slice %concatenate3A_466 {offsets = [3, 0, 0], sizes = [1, 256, 33], strides = [1, 1, 1]} : vector<4x256x33xf32> to vector<1x256x33xf32>
    %squeeze3A_480 = vector.shape_cast %slice3A_479 : vector<1x256x33xf32> to vector<256x33xf32>
    %dot_general3A_481 = arith.constant dense<0.000000e+00> : vector<256x33xf32>
    %dot_general3A_482 = tpu.matmul %get3A_33, %squeeze3A_480, %dot_general3A_481 {dimension_numbers = #tpu.dot_dimension_numbers<[1], [0], [0], [1], [0, 0, 1, 1], [], []>, precision = #tpu.contract_precision<fp32>, transpose_lhs_hint = false} : vector<256x256xf32>, vector<256x33xf32>, vector<256x33xf32> -> vector<256x33xf32>
    %stack3A_483 = vector.shape_cast %dot_general3A_470 : vector<256x33xf32> to vector<1x256x33xf32>
    %stack3A_484 = vector.shape_cast %dot_general3A_474 : vector<256x33xf32> to vector<1x256x33xf32>
    %stack3A_485 = vector.shape_cast %dot_general3A_478 : vector<256x33xf32> to vector<1x256x33xf32>
    %stack3A_486 = vector.shape_cast %dot_general3A_482 : vector<256x33xf32> to vector<1x256x33xf32>
    %stack3A_487 = tpu.concatenate %stack3A_483, %stack3A_484, %stack3A_485, %stack3A_486 in 0 : vector<1x256x33xf32>, vector<1x256x33xf32>, vector<1x256x33xf32>, vector<1x256x33xf32> -> vector<4x256x33xf32>
    %reshape3A_488 = vector.shape_cast %concatenate3A_466 : vector<4x256x33xf32> to vector<1024x33xf32>
    %reshape3A_489 = vector.shape_cast %stack3A_487 : vector<4x256x33xf32> to vector<1024x33xf32>
    %dot_general3A_490 = arith.constant dense<0.000000e+00> : vector<1024x64xf32>
    %dot_general3A_491 = tpu.matmul %reshape3A_488, %get3A_450, %dot_general3A_490 {dimension_numbers = #tpu.dot_dimension_numbers<[1], [0], [0], [1], [0, 0, 1, 1], [], []>, transpose_lhs_hint = false} : vector<1024x33xf32>, vector<33x64xf32>, vector<1024x64xf32> -> vector<1024x64xf32>
    %dot_general3A_492 = arith.constant dense<0.000000e+00> : vector<1024x64xf32>
    %dot_general3A_493 = tpu.matmul %reshape3A_489, %get3A_453, %dot_general3A_492 {dimension_numbers = #tpu.dot_dimension_numbers<[1], [0], [0], [1], [0, 0, 1, 1], [], []>, transpose_lhs_hint = false} : vector<1024x33xf32>, vector<33x64xf32>, vector<1024x64xf32> -> vector<1024x64xf32>
    %add3A_494 = arith.addf %dot_general3A_491, %dot_general3A_493 : vector<1024x64xf32>
    %add3A_495 = vector.broadcast %get3A_456 : vector<1x64xf32> to vector<1024x64xf32>
    %add3A_496 = arith.addf %add3A_494, %add3A_495 : vector<1024x64xf32>
    %logistic3A_497 = arith.negf %add3A_496 : vector<1024x64xf32>
    %logistic3A_498 = math.exp %logistic3A_497 : vector<1024x64xf32>
    %logistic3A_499 = arith.constant 1.000000e+00 : f32
    %logistic3A_500 = vector.broadcast %logistic3A_499 : f32 to vector<1024x64xf32>
    %logistic3A_501 = arith.addf %logistic3A_500, %logistic3A_498 : vector<1024x64xf32>
    %logistic3A_502 = arith.divf %logistic3A_500, %logistic3A_501 : vector<1024x64xf32>
    %slice3A_503 = vector.extract_strided_slice %logistic3A_502 {offsets = [0, 0], sizes = [1024, 32], strides = [1, 1]} : vector<1024x64xf32> to vector<1024x32xf32>
    %slice3A_504 = vector.extract_strided_slice %logistic3A_502 {offsets = [0, 32], sizes = [1024, 32], strides = [1, 1]} : vector<1024x64xf32> to vector<1024x32xf32>
    %reshape3A_505 = vector.shape_cast %reshape3A_445 : vector<4x256x32xf32> to vector<1024x32xf32>
    %mul3A_506 = arith.mulf %slice3A_503, %reshape3A_505 : vector<1024x32xf32>
    %reshape3A_507 = vector.shape_cast %broadcast_in_dim3A_447 : vector<4x256x1xf32> to vector<1024x1xf32>
    %concatenate3A_508 = tpu.concatenate %reshape3A_507, %mul3A_506 in 1 : vector<1024x1xf32>, vector<1024x32xf32> -> vector<1024x33xf32>
    %reshape3A_509 = vector.shape_cast %concatenate3A_508 : vector<1024x33xf32> to vector<4x256x33xf32>
    %slice3A_510 = vector.extract_strided_slice %reshape3A_509 {offsets = [0, 0, 0], sizes = [1, 256, 33], strides = [1, 1, 1]} : vector<4x256x33xf32> to vector<1x256x33xf32>
    %squeeze3A_511 = vector.shape_cast %slice3A_510 : vector<1x256x33xf32> to vector<256x33xf32>
    %dot_general3A_512 = arith.constant dense<0.000000e+00> : vector<256x33xf32>
    %dot_general3A_513 = tpu.matmul %get3A_33, %squeeze3A_511, %dot_general3A_512 {dimension_numbers = #tpu.dot_dimension_numbers<[1], [0], [0], [1], [0, 0, 1, 1], [], []>, precision = #tpu.contract_precision<fp32>, transpose_lhs_hint = false} : vector<256x256xf32>, vector<256x33xf32>, vector<256x33xf32> -> vector<256x33xf32>
    %slice3A_514 = vector.extract_strided_slice %reshape3A_509 {offsets = [1, 0, 0], sizes = [1, 256, 33], strides = [1, 1, 1]} : vector<4x256x33xf32> to vector<1x256x33xf32>
    %squeeze3A_515 = vector.shape_cast %slice3A_514 : vector<1x256x33xf32> to vector<256x33xf32>
    %dot_general3A_516 = arith.constant dense<0.000000e+00> : vector<256x33xf32>
    %dot_general3A_517 = tpu.matmul %get3A_33, %squeeze3A_515, %dot_general3A_516 {dimension_numbers = #tpu.dot_dimension_numbers<[1], [0], [0], [1], [0, 0, 1, 1], [], []>, precision = #tpu.contract_precision<fp32>, transpose_lhs_hint = false} : vector<256x256xf32>, vector<256x33xf32>, vector<256x33xf32> -> vector<256x33xf32>
    %slice3A_518 = vector.extract_strided_slice %reshape3A_509 {offsets = [2, 0, 0], sizes = [1, 256, 33], strides = [1, 1, 1]} : vector<4x256x33xf32> to vector<1x256x33xf32>
    %squeeze3A_519 = vector.shape_cast %slice3A_518 : vector<1x256x33xf32> to vector<256x33xf32>
    %dot_general3A_520 = arith.constant dense<0.000000e+00> : vector<256x33xf32>
    %dot_general3A_521 = tpu.matmul %get3A_33, %squeeze3A_519, %dot_general3A_520 {dimension_numbers = #tpu.dot_dimension_numbers<[1], [0], [0], [1], [0, 0, 1, 1], [], []>, precision = #tpu.contract_precision<fp32>, transpose_lhs_hint = false} : vector<256x256xf32>, vector<256x33xf32>, vector<256x33xf32> -> vector<256x33xf32>
    %slice3A_522 = vector.extract_strided_slice %reshape3A_509 {offsets = [3, 0, 0], sizes = [1, 256, 33], strides = [1, 1, 1]} : vector<4x256x33xf32> to vector<1x256x33xf32>
    %squeeze3A_523 = vector.shape_cast %slice3A_522 : vector<1x256x33xf32> to vector<256x33xf32>
    %dot_general3A_524 = arith.constant dense<0.000000e+00> : vector<256x33xf32>
    %dot_general3A_525 = tpu.matmul %get3A_33, %squeeze3A_523, %dot_general3A_524 {dimension_numbers = #tpu.dot_dimension_numbers<[1], [0], [0], [1], [0, 0, 1, 1], [], []>, precision = #tpu.contract_precision<fp32>, transpose_lhs_hint = false} : vector<256x256xf32>, vector<256x33xf32>, vector<256x33xf32> -> vector<256x33xf32>
    %stack3A_526 = vector.shape_cast %dot_general3A_513 : vector<256x33xf32> to vector<1x256x33xf32>
    %stack3A_527 = vector.shape_cast %dot_general3A_517 : vector<256x33xf32> to vector<1x256x33xf32>
    %stack3A_528 = vector.shape_cast %dot_general3A_521 : vector<256x33xf32> to vector<1x256x33xf32>
    %stack3A_529 = vector.shape_cast %dot_general3A_525 : vector<256x33xf32> to vector<1x256x33xf32>
    %stack3A_530 = tpu.concatenate %stack3A_526, %stack3A_527, %stack3A_528, %stack3A_529 in 0 : vector<1x256x33xf32>, vector<1x256x33xf32>, vector<1x256x33xf32>, vector<1x256x33xf32> -> vector<4x256x33xf32>
    %reshape3A_531 = vector.shape_cast %stack3A_530 : vector<4x256x33xf32> to vector<1024x33xf32>
    %dot_general3A_532 = arith.constant dense<0.000000e+00> : vector<1024x32xf32>
    %dot_general3A_533 = tpu.matmul %concatenate3A_508, %get3A_459, %dot_general3A_532 {dimension_numbers = #tpu.dot_dimension_numbers<[1], [0], [0], [1], [0, 0, 1, 1], [], []>, transpose_lhs_hint = false} : vector<1024x33xf32>, vector<33x32xf32>, vector<1024x32xf32> -> vector<1024x32xf32>
    %dot_general3A_534 = arith.constant dense<0.000000e+00> : vector<1024x32xf32>
    %dot_general3A_535 = tpu.matmul %reshape3A_531, %get3A_462, %dot_general3A_534 {dimension_numbers = #tpu.dot_dimension_numbers<[1], [0], [0], [1], [0, 0, 1, 1], [], []>, transpose_lhs_hint = false} : vector<1024x33xf32>, vector<33x32xf32>, vector<1024x32xf32> -> vector<1024x32xf32>
    %add3A_536 = arith.addf %dot_general3A_533, %dot_general3A_535 : vector<1024x32xf32>
    %add3A_537 = vector.broadcast %get3A_465 : vector<1x32xf32> to vector<1024x32xf32>
    %add3A_538 = arith.addf %add3A_536, %add3A_537 : vector<1024x32xf32>
    %tanh3A_539 = math.tanh %add3A_538 : vector<1024x32xf32>
    %mul3A_540 = arith.mulf %slice3A_504, %reshape3A_505 : vector<1024x32xf32>
    %sub3A_541 = arith.constant 1.000000e+00 : f32
    %sub3A_542 = vector.broadcast %sub3A_541 : f32 to vector<1024x32xf32>
    %sub3A_543 = arith.subf %sub3A_542, %slice3A_504 : vector<1024x32xf32>
    %mul3A_544 = arith.mulf %sub3A_543, %tanh3A_539 : vector<1024x32xf32>
    %add3A_545 = arith.addf %mul3A_540, %mul3A_544 : vector<1024x32xf32>
    %reshape3A_546 = vector.shape_cast %add3A_545 : vector<1024x32xf32> to vector<4x256x32xf32>
    %swap3A_547 = arith.constant 0 : index
    %swap3A_548 = arith.constant 0 : index
    %swap3A_549 = arith.constant 0 : index
    %swap3A_550 = arith.constant 0 : index
    %swap3A_551 = vector.load %arg22[%swap3A_547, %swap3A_548, %swap3A_549, %swap3A_550] : memref<4x4x256x32xf32, #tpu.memory_space<vmem>>, vector<1x4x256x32xf32>
    %swap3A_552 = vector.shape_cast %swap3A_551 : vector<1x4x256x32xf32> to vector<4x256x32xf32>
    %swap3A_553 = vector.shape_cast %reshape3A_546 : vector<4x256x32xf32> to vector<1x4x256x32xf32>
    tpu.vector_store %arg22[%swap3A_547, %swap3A_548, %swap3A_549, %swap3A_550], %swap3A_553 {strides = array<i32>} : memref<4x4x256x32xf32, #tpu.memory_space<vmem>>, vector<1x4x256x32xf32>,
    %get3A_554 = arith.constant 0 : index
    %get3A_555 = arith.constant 0 : index
    %get3A_556 = vector.load %arg16[%get3A_554, %get3A_555] : memref<33x64xf32, #tpu.memory_space<vmem>>, vector<33x64xf32>
    %get3A_557 = arith.constant 0 : index
    %get3A_558 = arith.constant 0 : index
    %get3A_559 = vector.load %arg17[%get3A_557, %get3A_558] : memref<33x64xf32, #tpu.memory_space<vmem>>, vector<33x64xf32>
    %get3A_560 = arith.constant 0 : index
    %get3A_561 = arith.constant 0 : index
    %get3A_562 = vector.load %arg18[%get3A_560, %get3A_561] : memref<1x64xf32, #tpu.memory_space<vmem>>, vector<1x64xf32>
    %get3A_563 = arith.constant 0 : index
    %get3A_564 = arith.constant 0 : index
    %get3A_565 = vector.load %arg19[%get3A_563, %get3A_564] : memref<33x32xf32, #tpu.memory_space<vmem>>, vector<33x32xf32>
    %get3A_566 = arith.constant 0 : index
    %get3A_567 = arith.constant 0 : index
    %get3A_568 = vector.load %arg20[%get3A_566, %get3A_567] : memref<33x32xf32, #tpu.memory_space<vmem>>, vector<33x32xf32>
    %get3A_569 = arith.constant 0 : index
    %get3A_570 = arith.constant 0 : index
    %get3A_571 = vector.load %arg21[%get3A_569, %get3A_570] : memref<1x32xf32, #tpu.memory_space<vmem>>, vector<1x32xf32>
    %concatenate3A_572 = tpu.concatenate %broadcast_in_dim3A_447, %reshape3A_546 in 2 : vector<4x256x1xf32>, vector<4x256x32xf32> -> vector<4x256x33xf32>
    %slice3A_573 = vector.extract_strided_slice %concatenate3A_572 {offsets = [0, 0, 0], sizes = [1, 256, 33], strides = [1, 1, 1]} : vector<4x256x33xf32> to vector<1x256x33xf32>
    %squeeze3A_574 = vector.shape_cast %slice3A_573 : vector<1x256x33xf32> to vector<256x33xf32>
    %dot_general3A_575 = arith.constant dense<0.000000e+00> : vector<256x33xf32>
    %dot_general3A_576 = tpu.matmul %get3A_33, %squeeze3A_574, %dot_general3A_575 {dimension_numbers = #tpu.dot_dimension_numbers<[1], [0], [0], [1], [0, 0, 1, 1], [], []>, precision = #tpu.contract_precision<fp32>, transpose_lhs_hint = false} : vector<256x256xf32>, vector<256x33xf32>, vector<256x33xf32> -> vector<256x33xf32>
    %slice3A_577 = vector.extract_strided_slice %concatenate3A_572 {offsets = [1, 0, 0], sizes = [1, 256, 33], strides = [1, 1, 1]} : vector<4x256x33xf32> to vector<1x256x33xf32>
    %squeeze3A_578 = vector.shape_cast %slice3A_577 : vector<1x256x33xf32> to vector<256x33xf32>
    %dot_general3A_579 = arith.constant dense<0.000000e+00> : vector<256x33xf32>
    %dot_general3A_580 = tpu.matmul %get3A_33, %squeeze3A_578, %dot_general3A_579 {dimension_numbers = #tpu.dot_dimension_numbers<[1], [0], [0], [1], [0, 0, 1, 1], [], []>, precision = #tpu.contract_precision<fp32>, transpose_lhs_hint = false} : vector<256x256xf32>, vector<256x33xf32>, vector<256x33xf32> -> vector<256x33xf32>
    %slice3A_581 = vector.extract_strided_slice %concatenate3A_572 {offsets = [2, 0, 0], sizes = [1, 256, 33], strides = [1, 1, 1]} : vector<4x256x33xf32> to vector<1x256x33xf32>
    %squeeze3A_582 = vector.shape_cast %slice3A_581 : vector<1x256x33xf32> to vector<256x33xf32>
    %dot_general3A_583 = arith.constant dense<0.000000e+00> : vector<256x33xf32>
    %dot_general3A_584 = tpu.matmul %get3A_33, %squeeze3A_582, %dot_general3A_583 {dimension_numbers = #tpu.dot_dimension_numbers<[1], [0], [0], [1], [0, 0, 1, 1], [], []>, precision = #tpu.contract_precision<fp32>, transpose_lhs_hint = false} : vector<256x256xf32>, vector<256x33xf32>, vector<256x33xf32> -> vector<256x33xf32>
    %slice3A_585 = vector.extract_strided_slice %concatenate3A_572 {offsets = [3, 0, 0], sizes = [1, 256, 33], strides = [1, 1, 1]} : vector<4x256x33xf32> to vector<1x256x33xf32>
    %squeeze3A_586 = vector.shape_cast %slice3A_585 : vector<1x256x33xf32> to vector<256x33xf32>
    %dot_general3A_587 = arith.constant dense<0.000000e+00> : vector<256x33xf32>
    %dot_general3A_588 = tpu.matmul %get3A_33, %squeeze3A_586, %dot_general3A_587 {dimension_numbers = #tpu.dot_dimension_numbers<[1], [0], [0], [1], [0, 0, 1, 1], [], []>, precision = #tpu.contract_precision<fp32>, transpose_lhs_hint = false} : vector<256x256xf32>, vector<256x33xf32>, vector<256x33xf32> -> vector<256x33xf32>
    %stack3A_589 = vector.shape_cast %dot_general3A_576 : vector<256x33xf32> to vector<1x256x33xf32>
    %stack3A_590 = vector.shape_cast %dot_general3A_580 : vector<256x33xf32> to vector<1x256x33xf32>
    %stack3A_591 = vector.shape_cast %dot_general3A_584 : vector<256x33xf32> to vector<1x256x33xf32>
    %stack3A_592 = vector.shape_cast %dot_general3A_588 : vector<256x33xf32> to vector<1x256x33xf32>
    %stack3A_593 = tpu.concatenate %stack3A_589, %stack3A_590, %stack3A_591, %stack3A_592 in 0 : vector<1x256x33xf32>, vector<1x256x33xf32>, vector<1x256x33xf32>, vector<1x256x33xf32> -> vector<4x256x33xf32>
    %reshape3A_594 = vector.shape_cast %concatenate3A_572 : vector<4x256x33xf32> to vector<1024x33xf32>
    %reshape3A_595 = vector.shape_cast %stack3A_593 : vector<4x256x33xf32> to vector<1024x33xf32>
    %dot_general3A_596 = arith.constant dense<0.000000e+00> : vector<1024x64xf32>
    %dot_general3A_597 = tpu.matmul %reshape3A_594, %get3A_556, %dot_general3A_596 {dimension_numbers = #tpu.dot_dimension_numbers<[1], [0], [0], [1], [0, 0, 1, 1], [], []>, transpose_lhs_hint = false} : vector<1024x33xf32>, vector<33x64xf32>, vector<1024x64xf32> -> vector<1024x64xf32>
    %dot_general3A_598 = arith.constant dense<0.000000e+00> : vector<1024x64xf32>
    %dot_general3A_599 = tpu.matmul %reshape3A_595, %get3A_559, %dot_general3A_598 {dimension_numbers = #tpu.dot_dimension_numbers<[1], [0], [0], [1], [0, 0, 1, 1], [], []>, transpose_lhs_hint = false} : vector<1024x33xf32>, vector<33x64xf32>, vector<1024x64xf32> -> vector<1024x64xf32>
    %add3A_600 = arith.addf %dot_general3A_597, %dot_general3A_599 : vector<1024x64xf32>
    %add3A_601 = vector.broadcast %get3A_562 : vector<1x64xf32> to vector<1024x64xf32>
    %add3A_602 = arith.addf %add3A_600, %add3A_601 : vector<1024x64xf32>
    %logistic3A_603 = arith.negf %add3A_602 : vector<1024x64xf32>
    %logistic3A_604 = math.exp %logistic3A_603 : vector<1024x64xf32>
    %logistic3A_605 = arith.constant 1.000000e+00 : f32
    %logistic3A_606 = vector.broadcast %logistic3A_605 : f32 to vector<1024x64xf32>
    %logistic3A_607 = arith.addf %logistic3A_606, %logistic3A_604 : vector<1024x64xf32>
    %logistic3A_608 = arith.divf %logistic3A_606, %logistic3A_607 : vector<1024x64xf32>
    %slice3A_609 = vector.extract_strided_slice %logistic3A_608 {offsets = [0, 0], sizes = [1024, 32], strides = [1, 1]} : vector<1024x64xf32> to vector<1024x32xf32>
    %slice3A_610 = vector.extract_strided_slice %logistic3A_608 {offsets = [0, 32], sizes = [1024, 32], strides = [1, 1]} : vector<1024x64xf32> to vector<1024x32xf32>
    %reshape3A_611 = vector.shape_cast %reshape3A_546 : vector<4x256x32xf32> to vector<1024x32xf32>
    %mul3A_612 = arith.mulf %slice3A_609, %reshape3A_611 : vector<1024x32xf32>
    %reshape3A_613 = vector.shape_cast %broadcast_in_dim3A_447 : vector<4x256x1xf32> to vector<1024x1xf32>
    %concatenate3A_614 = tpu.concatenate %reshape3A_613, %mul3A_612 in 1 : vector<1024x1xf32>, vector<1024x32xf32> -> vector<1024x33xf32>
    %reshape3A_615 = vector.shape_cast %concatenate3A_614 : vector<1024x33xf32> to vector<4x256x33xf32>
    %slice3A_616 = vector.extract_strided_slice %reshape3A_615 {offsets = [0, 0, 0], sizes = [1, 256, 33], strides = [1, 1, 1]} : vector<4x256x33xf32> to vector<1x256x33xf32>
    %squeeze3A_617 = vector.shape_cast %slice3A_616 : vector<1x256x33xf32> to vector<256x33xf32>
    %dot_general3A_618 = arith.constant dense<0.000000e+00> : vector<256x33xf32>
    %dot_general3A_619 = tpu.matmul %get3A_33, %squeeze3A_617, %dot_general3A_618 {dimension_numbers = #tpu.dot_dimension_numbers<[1], [0], [0], [1], [0, 0, 1, 1], [], []>, precision = #tpu.contract_precision<fp32>, transpose_lhs_hint = false} : vector<256x256xf32>, vector<256x33xf32>, vector<256x33xf32> -> vector<256x33xf32>
    %slice3A_620 = vector.extract_strided_slice %reshape3A_615 {offsets = [1, 0, 0], sizes = [1, 256, 33], strides = [1, 1, 1]} : vector<4x256x33xf32> to vector<1x256x33xf32>
    %squeeze3A_621 = vector.shape_cast %slice3A_620 : vector<1x256x33xf32> to vector<256x33xf32>
    %dot_general3A_622 = arith.constant dense<0.000000e+00> : vector<256x33xf32>
    %dot_general3A_623 = tpu.matmul %get3A_33, %squeeze3A_621, %dot_general3A_622 {dimension_numbers = #tpu.dot_dimension_numbers<[1], [0], [0], [1], [0, 0, 1, 1], [], []>, precision = #tpu.contract_precision<fp32>, transpose_lhs_hint = false} : vector<256x256xf32>, vector<256x33xf32>, vector<256x33xf32> -> vector<256x33xf32>
    %slice3A_624 = vector.extract_strided_slice %reshape3A_615 {offsets = [2, 0, 0], sizes = [1, 256, 33], strides = [1, 1, 1]} : vector<4x256x33xf32> to vector<1x256x33xf32>
    %squeeze3A_625 = vector.shape_cast %slice3A_624 : vector<1x256x33xf32> to vector<256x33xf32>
    %dot_general3A_626 = arith.constant dense<0.000000e+00> : vector<256x33xf32>
    %dot_general3A_627 = tpu.matmul %get3A_33, %squeeze3A_625, %dot_general3A_626 {dimension_numbers = #tpu.dot_dimension_numbers<[1], [0], [0], [1], [0, 0, 1, 1], [], []>, precision = #tpu.contract_precision<fp32>, transpose_lhs_hint = false} : vector<256x256xf32>, vector<256x33xf32>, vector<256x33xf32> -> vector<256x33xf32>
    %slice3A_628 = vector.extract_strided_slice %reshape3A_615 {offsets = [3, 0, 0], sizes = [1, 256, 33], strides = [1, 1, 1]} : vector<4x256x33xf32> to vector<1x256x33xf32>
    %squeeze3A_629 = vector.shape_cast %slice3A_628 : vector<1x256x33xf32> to vector<256x33xf32>
    %dot_general3A_630 = arith.constant dense<0.000000e+00> : vector<256x33xf32>
    %dot_general3A_631 = tpu.matmul %get3A_33, %squeeze3A_629, %dot_general3A_630 {dimension_numbers = #tpu.dot_dimension_numbers<[1], [0], [0], [1], [0, 0, 1, 1], [], []>, precision = #tpu.contract_precision<fp32>, transpose_lhs_hint = false} : vector<256x256xf32>, vector<256x33xf32>, vector<256x33xf32> -> vector<256x33xf32>
    %stack3A_632 = vector.shape_cast %dot_general3A_619 : vector<256x33xf32> to vector<1x256x33xf32>
    %stack3A_633 = vector.shape_cast %dot_general3A_623 : vector<256x33xf32> to vector<1x256x33xf32>
    %stack3A_634 = vector.shape_cast %dot_general3A_627 : vector<256x33xf32> to vector<1x256x33xf32>
    %stack3A_635 = vector.shape_cast %dot_general3A_631 : vector<256x33xf32> to vector<1x256x33xf32>
    %stack3A_636 = tpu.concatenate %stack3A_632, %stack3A_633, %stack3A_634, %stack3A_635 in 0 : vector<1x256x33xf32>, vector<1x256x33xf32>, vector<1x256x33xf32>, vector<1x256x33xf32> -> vector<4x256x33xf32>
    %reshape3A_637 = vector.shape_cast %stack3A_636 : vector<4x256x33xf32> to vector<1024x33xf32>
    %dot_general3A_638 = arith.constant dense<0.000000e+00> : vector<1024x32xf32>
    %dot_general3A_639 = tpu.matmul %concatenate3A_614, %get3A_565, %dot_general3A_638 {dimension_numbers = #tpu.dot_dimension_numbers<[1], [0], [0], [1], [0, 0, 1, 1], [], []>, transpose_lhs_hint = false} : vector<1024x33xf32>, vector<33x32xf32>, vector<1024x32xf32> -> vector<1024x32xf32>
    %dot_general3A_640 = arith.constant dense<0.000000e+00> : vector<1024x32xf32>
    %dot_general3A_641 = tpu.matmul %reshape3A_637, %get3A_568, %dot_general3A_640 {dimension_numbers = #tpu.dot_dimension_numbers<[1], [0], [0], [1], [0, 0, 1, 1], [], []>, transpose_lhs_hint = false} : vector<1024x33xf32>, vector<33x32xf32>, vector<1024x32xf32> -> vector<1024x32xf32>
    %add3A_642 = arith.addf %dot_general3A_639, %dot_general3A_641 : vector<1024x32xf32>
    %add3A_643 = vector.broadcast %get3A_571 : vector<1x32xf32> to vector<1024x32xf32>
    %add3A_644 = arith.addf %add3A_642, %add3A_643 : vector<1024x32xf32>
    %tanh3A_645 = math.tanh %add3A_644 : vector<1024x32xf32>
    %mul3A_646 = arith.mulf %slice3A_610, %reshape3A_611 : vector<1024x32xf32>
    %sub3A_647 = arith.constant 1.000000e+00 : f32
    %sub3A_648 = vector.broadcast %sub3A_647 : f32 to vector<1024x32xf32>
    %sub3A_649 = arith.subf %sub3A_648, %slice3A_610 : vector<1024x32xf32>
    %mul3A_650 = arith.mulf %sub3A_649, %tanh3A_645 : vector<1024x32xf32>
    %add3A_651 = arith.addf %mul3A_646, %mul3A_650 : vector<1024x32xf32>
    %reshape3A_652 = vector.shape_cast %add3A_651 : vector<1024x32xf32> to vector<4x256x32xf32>
    %swap3A_653 = arith.constant 1 : index
    %swap3A_654 = arith.constant 0 : index
    %swap3A_655 = arith.constant 0 : index
    %swap3A_656 = arith.constant 0 : index
    %swap3A_657 = vector.load %arg22[%swap3A_653, %swap3A_654, %swap3A_655, %swap3A_656] : memref<4x4x256x32xf32, #tpu.memory_space<vmem>>, vector<1x4x256x32xf32>
    %swap3A_658 = vector.shape_cast %swap3A_657 : vector<1x4x256x32xf32> to vector<4x256x32xf32>
    %swap3A_659 = vector.shape_cast %reshape3A_652 : vector<4x256x32xf32> to vector<1x4x256x32xf32>
    tpu.vector_store %arg22[%swap3A_653, %swap3A_654, %swap3A_655, %swap3A_656], %swap3A_659 {strides = array<i32>} : memref<4x4x256x32xf32, #tpu.memory_space<vmem>>, vector<1x4x256x32xf32>,
    %get3A_660 = arith.constant 0 : index
    %get3A_661 = arith.constant 0 : index
    %get3A_662 = vector.load %arg16[%get3A_660, %get3A_661] : memref<33x64xf32, #tpu.memory_space<vmem>>, vector<33x64xf32>
    %get3A_663 = arith.constant 0 : index
    %get3A_664 = arith.constant 0 : index
    %get3A_665 = vector.load %arg17[%get3A_663, %get3A_664] : memref<33x64xf32, #tpu.memory_space<vmem>>, vector<33x64xf32>
    %get3A_666 = arith.constant 0 : index
    %get3A_667 = arith.constant 0 : index
    %get3A_668 = vector.load %arg18[%get3A_666, %get3A_667] : memref<1x64xf32, #tpu.memory_space<vmem>>, vector<1x64xf32>
    %get3A_669 = arith.constant 0 : index
    %get3A_670 = arith.constant 0 : index
    %get3A_671 = vector.load %arg19[%get3A_669, %get3A_670] : memref<33x32xf32, #tpu.memory_space<vmem>>, vector<33x32xf32>
    %get3A_672 = arith.constant 0 : index
    %get3A_673 = arith.constant 0 : index
    %get3A_674 = vector.load %arg20[%get3A_672, %get3A_673] : memref<33x32xf32, #tpu.memory_space<vmem>>, vector<33x32xf32>
    %get3A_675 = arith.constant 0 : index
    %get3A_676 = arith.constant 0 : index
    %get3A_677 = vector.load %arg21[%get3A_675, %get3A_676] : memref<1x32xf32, #tpu.memory_space<vmem>>, vector<1x32xf32>
    %concatenate3A_678 = tpu.concatenate %broadcast_in_dim3A_447, %reshape3A_652 in 2 : vector<4x256x1xf32>, vector<4x256x32xf32> -> vector<4x256x33xf32>
    %slice3A_679 = vector.extract_strided_slice %concatenate3A_678 {offsets = [0, 0, 0], sizes = [1, 256, 33], strides = [1, 1, 1]} : vector<4x256x33xf32> to vector<1x256x33xf32>
    %squeeze3A_680 = vector.shape_cast %slice3A_679 : vector<1x256x33xf32> to vector<256x33xf32>
    %dot_general3A_681 = arith.constant dense<0.000000e+00> : vector<256x33xf32>
    %dot_general3A_682 = tpu.matmul %get3A_33, %squeeze3A_680, %dot_general3A_681 {dimension_numbers = #tpu.dot_dimension_numbers<[1], [0], [0], [1], [0, 0, 1, 1], [], []>, precision = #tpu.contract_precision<fp32>, transpose_lhs_hint = false} : vector<256x256xf32>, vector<256x33xf32>, vector<256x33xf32> -> vector<256x33xf32>
    %slice3A_683 = vector.extract_strided_slice %concatenate3A_678 {offsets = [1, 0, 0], sizes = [1, 256, 33], strides = [1, 1, 1]} : vector<4x256x33xf32> to vector<1x256x33xf32>
    %squeeze3A_684 = vector.shape_cast %slice3A_683 : vector<1x256x33xf32> to vector<256x33xf32>
    %dot_general3A_685 = arith.constant dense<0.000000e+00> : vector<256x33xf32>
    %dot_general3A_686 = tpu.matmul %get3A_33, %squeeze3A_684, %dot_general3A_685 {dimension_numbers = #tpu.dot_dimension_numbers<[1], [0], [0], [1], [0, 0, 1, 1], [], []>, precision = #tpu.contract_precision<fp32>, transpose_lhs_hint = false} : vector<256x256xf32>, vector<256x33xf32>, vector<256x33xf32> -> vector<256x33xf32>
    %slice3A_687 = vector.extract_strided_slice %concatenate3A_678 {offsets = [2, 0, 0], sizes = [1, 256, 33], strides = [1, 1, 1]} : vector<4x256x33xf32> to vector<1x256x33xf32>
    %squeeze3A_688 = vector.shape_cast %slice3A_687 : vector<1x256x33xf32> to vector<256x33xf32>
    %dot_general3A_689 = arith.constant dense<0.000000e+00> : vector<256x33xf32>
    %dot_general3A_690 = tpu.matmul %get3A_33, %squeeze3A_688, %dot_general3A_689 {dimension_numbers = #tpu.dot_dimension_numbers<[1], [0], [0], [1], [0, 0, 1, 1], [], []>, precision = #tpu.contract_precision<fp32>, transpose_lhs_hint = false} : vector<256x256xf32>, vector<256x33xf32>, vector<256x33xf32> -> vector<256x33xf32>
    %slice3A_691 = vector.extract_strided_slice %concatenate3A_678 {offsets = [3, 0, 0], sizes = [1, 256, 33], strides = [1, 1, 1]} : vector<4x256x33xf32> to vector<1x256x33xf32>
    %squeeze3A_692 = vector.shape_cast %slice3A_691 : vector<1x256x33xf32> to vector<256x33xf32>
    %dot_general3A_693 = arith.constant dense<0.000000e+00> : vector<256x33xf32>
    %dot_general3A_694 = tpu.matmul %get3A_33, %squeeze3A_692, %dot_general3A_693 {dimension_numbers = #tpu.dot_dimension_numbers<[1], [0], [0], [1], [0, 0, 1, 1], [], []>, precision = #tpu.contract_precision<fp32>, transpose_lhs_hint = false} : vector<256x256xf32>, vector<256x33xf32>, vector<256x33xf32> -> vector<256x33xf32>
    %stack3A_695 = vector.shape_cast %dot_general3A_682 : vector<256x33xf32> to vector<1x256x33xf32>
    %stack3A_696 = vector.shape_cast %dot_general3A_686 : vector<256x33xf32> to vector<1x256x33xf32>
    %stack3A_697 = vector.shape_cast %dot_general3A_690 : vector<256x33xf32> to vector<1x256x33xf32>
    %stack3A_698 = vector.shape_cast %dot_general3A_694 : vector<256x33xf32> to vector<1x256x33xf32>
    %stack3A_699 = tpu.concatenate %stack3A_695, %stack3A_696, %stack3A_697, %stack3A_698 in 0 : vector<1x256x33xf32>, vector<1x256x33xf32>, vector<1x256x33xf32>, vector<1x256x33xf32> -> vector<4x256x33xf32>
    %reshape3A_700 = vector.shape_cast %concatenate3A_678 : vector<4x256x33xf32> to vector<1024x33xf32>
    %reshape3A_701 = vector.shape_cast %stack3A_699 : vector<4x256x33xf32> to vector<1024x33xf32>
    %dot_general3A_702 = arith.constant dense<0.000000e+00> : vector<1024x64xf32>
    %dot_general3A_703 = tpu.matmul %reshape3A_700, %get3A_662, %dot_general3A_702 {dimension_numbers = #tpu.dot_dimension_numbers<[1], [0], [0], [1], [0, 0, 1, 1], [], []>, transpose_lhs_hint = false} : vector<1024x33xf32>, vector<33x64xf32>, vector<1024x64xf32> -> vector<1024x64xf32>
    %dot_general3A_704 = arith.constant dense<0.000000e+00> : vector<1024x64xf32>
    %dot_general3A_705 = tpu.matmul %reshape3A_701, %get3A_665, %dot_general3A_704 {dimension_numbers = #tpu.dot_dimension_numbers<[1], [0], [0], [1], [0, 0, 1, 1], [], []>, transpose_lhs_hint = false} : vector<1024x33xf32>, vector<33x64xf32>, vector<1024x64xf32> -> vector<1024x64xf32>
    %add3A_706 = arith.addf %dot_general3A_703, %dot_general3A_705 : vector<1024x64xf32>
    %add3A_707 = vector.broadcast %get3A_668 : vector<1x64xf32> to vector<1024x64xf32>
    %add3A_708 = arith.addf %add3A_706, %add3A_707 : vector<1024x64xf32>
    %logistic3A_709 = arith.negf %add3A_708 : vector<1024x64xf32>
    %logistic3A_710 = math.exp %logistic3A_709 : vector<1024x64xf32>
    %logistic3A_711 = arith.constant 1.000000e+00 : f32
    %logistic3A_712 = vector.broadcast %logistic3A_711 : f32 to vector<1024x64xf32>
    %logistic3A_713 = arith.addf %logistic3A_712, %logistic3A_710 : vector<1024x64xf32>
    %logistic3A_714 = arith.divf %logistic3A_712, %logistic3A_713 : vector<1024x64xf32>
    %slice3A_715 = vector.extract_strided_slice %logistic3A_714 {offsets = [0, 0], sizes = [1024, 32], strides = [1, 1]} : vector<1024x64xf32> to vector<1024x32xf32>
    %slice3A_716 = vector.extract_strided_slice %logistic3A_714 {offsets = [0, 32], sizes = [1024, 32], strides = [1, 1]} : vector<1024x64xf32> to vector<1024x32xf32>
    %reshape3A_717 = vector.shape_cast %reshape3A_652 : vector<4x256x32xf32> to vector<1024x32xf32>
    %mul3A_718 = arith.mulf %slice3A_715, %reshape3A_717 : vector<1024x32xf32>
    %reshape3A_719 = vector.shape_cast %broadcast_in_dim3A_447 : vector<4x256x1xf32> to vector<1024x1xf32>
    %concatenate3A_720 = tpu.concatenate %reshape3A_719, %mul3A_718 in 1 : vector<1024x1xf32>, vector<1024x32xf32> -> vector<1024x33xf32>
    %reshape3A_721 = vector.shape_cast %concatenate3A_720 : vector<1024x33xf32> to vector<4x256x33xf32>
    %slice3A_722 = vector.extract_strided_slice %reshape3A_721 {offsets = [0, 0, 0], sizes = [1, 256, 33], strides = [1, 1, 1]} : vector<4x256x33xf32> to vector<1x256x33xf32>
    %squeeze3A_723 = vector.shape_cast %slice3A_722 : vector<1x256x33xf32> to vector<256x33xf32>
    %dot_general3A_724 = arith.constant dense<0.000000e+00> : vector<256x33xf32>
    %dot_general3A_725 = tpu.matmul %get3A_33, %squeeze3A_723, %dot_general3A_724 {dimension_numbers = #tpu.dot_dimension_numbers<[1], [0], [0], [1], [0, 0, 1, 1], [], []>, precision = #tpu.contract_precision<fp32>, transpose_lhs_hint = false} : vector<256x256xf32>, vector<256x33xf32>, vector<256x33xf32> -> vector<256x33xf32>
    %slice3A_726 = vector.extract_strided_slice %reshape3A_721 {offsets = [1, 0, 0], sizes = [1, 256, 33], strides = [1, 1, 1]} : vector<4x256x33xf32> to vector<1x256x33xf32>
    %squeeze3A_727 = vector.shape_cast %slice3A_726 : vector<1x256x33xf32> to vector<256x33xf32>
    %dot_general3A_728 = arith.constant dense<0.000000e+00> : vector<256x33xf32>
    %dot_general3A_729 = tpu.matmul %get3A_33, %squeeze3A_727, %dot_general3A_728 {dimension_numbers = #tpu.dot_dimension_numbers<[1], [0], [0], [1], [0, 0, 1, 1], [], []>, precision = #tpu.contract_precision<fp32>, transpose_lhs_hint = false} : vector<256x256xf32>, vector<256x33xf32>, vector<256x33xf32> -> vector<256x33xf32>
    %slice3A_730 = vector.extract_strided_slice %reshape3A_721 {offsets = [2, 0, 0], sizes = [1, 256, 33], strides = [1, 1, 1]} : vector<4x256x33xf32> to vector<1x256x33xf32>
    %squeeze3A_731 = vector.shape_cast %slice3A_730 : vector<1x256x33xf32> to vector<256x33xf32>
    %dot_general3A_732 = arith.constant dense<0.000000e+00> : vector<256x33xf32>
    %dot_general3A_733 = tpu.matmul %get3A_33, %squeeze3A_731, %dot_general3A_732 {dimension_numbers = #tpu.dot_dimension_numbers<[1], [0], [0], [1], [0, 0, 1, 1], [], []>, precision = #tpu.contract_precision<fp32>, transpose_lhs_hint = false} : vector<256x256xf32>, vector<256x33xf32>, vector<256x33xf32> -> vector<256x33xf32>
    %slice3A_734 = vector.extract_strided_slice %reshape3A_721 {offsets = [3, 0, 0], sizes = [1, 256, 33], strides = [1, 1, 1]} : vector<4x256x33xf32> to vector<1x256x33xf32>
    %squeeze3A_735 = vector.shape_cast %slice3A_734 : vector<1x256x33xf32> to vector<256x33xf32>
    %dot_general3A_736 = arith.constant dense<0.000000e+00> : vector<256x33xf32>
    %dot_general3A_737 = tpu.matmul %get3A_33, %squeeze3A_735, %dot_general3A_736 {dimension_numbers = #tpu.dot_dimension_numbers<[1], [0], [0], [1], [0, 0, 1, 1], [], []>, precision = #tpu.contract_precision<fp32>, transpose_lhs_hint = false} : vector<256x256xf32>, vector<256x33xf32>, vector<256x33xf32> -> vector<256x33xf32>
    %stack3A_738 = vector.shape_cast %dot_general3A_725 : vector<256x33xf32> to vector<1x256x33xf32>
    %stack3A_739 = vector.shape_cast %dot_general3A_729 : vector<256x33xf32> to vector<1x256x33xf32>
    %stack3A_740 = vector.shape_cast %dot_general3A_733 : vector<256x33xf32> to vector<1x256x33xf32>
    %stack3A_741 = vector.shape_cast %dot_general3A_737 : vector<256x33xf32> to vector<1x256x33xf32>
    %stack3A_742 = tpu.concatenate %stack3A_738, %stack3A_739, %stack3A_740, %stack3A_741 in 0 : vector<1x256x33xf32>, vector<1x256x33xf32>, vector<1x256x33xf32>, vector<1x256x33xf32> -> vector<4x256x33xf32>
    %reshape3A_743 = vector.shape_cast %stack3A_742 : vector<4x256x33xf32> to vector<1024x33xf32>
    %dot_general3A_744 = arith.constant dense<0.000000e+00> : vector<1024x32xf32>
    %dot_general3A_745 = tpu.matmul %concatenate3A_720, %get3A_671, %dot_general3A_744 {dimension_numbers = #tpu.dot_dimension_numbers<[1], [0], [0], [1], [0, 0, 1, 1], [], []>, transpose_lhs_hint = false} : vector<1024x33xf32>, vector<33x32xf32>, vector<1024x32xf32> -> vector<1024x32xf32>
    %dot_general3A_746 = arith.constant dense<0.000000e+00> : vector<1024x32xf32>
    %dot_general3A_747 = tpu.matmul %reshape3A_743, %get3A_674, %dot_general3A_746 {dimension_numbers = #tpu.dot_dimension_numbers<[1], [0], [0], [1], [0, 0, 1, 1], [], []>, transpose_lhs_hint = false} : vector<1024x33xf32>, vector<33x32xf32>, vector<1024x32xf32> -> vector<1024x32xf32>
    %add3A_748 = arith.addf %dot_general3A_745, %dot_general3A_747 : vector<1024x32xf32>
    %add3A_749 = vector.broadcast %get3A_677 : vector<1x32xf32> to vector<1024x32xf32>
    %add3A_750 = arith.addf %add3A_748, %add3A_749 : vector<1024x32xf32>
    %tanh3A_751 = math.tanh %add3A_750 : vector<1024x32xf32>
    %mul3A_752 = arith.mulf %slice3A_716, %reshape3A_717 : vector<1024x32xf32>
    %sub3A_753 = arith.constant 1.000000e+00 : f32
    %sub3A_754 = vector.broadcast %sub3A_753 : f32 to vector<1024x32xf32>
    %sub3A_755 = arith.subf %sub3A_754, %slice3A_716 : vector<1024x32xf32>
    %mul3A_756 = arith.mulf %sub3A_755, %tanh3A_751 : vector<1024x32xf32>
    %add3A_757 = arith.addf %mul3A_752, %mul3A_756 : vector<1024x32xf32>
    %reshape3A_758 = vector.shape_cast %add3A_757 : vector<1024x32xf32> to vector<4x256x32xf32>
    %swap3A_759 = arith.constant 2 : index
    %swap3A_760 = arith.constant 0 : index
    %swap3A_761 = arith.constant 0 : index
    %swap3A_762 = arith.constant 0 : index
    %swap3A_763 = vector.load %arg22[%swap3A_759, %swap3A_760, %swap3A_761, %swap3A_762] : memref<4x4x256x32xf32, #tpu.memory_space<vmem>>, vector<1x4x256x32xf32>
    %swap3A_764 = vector.shape_cast %swap3A_763 : vector<1x4x256x32xf32> to vector<4x256x32xf32>
    %swap3A_765 = vector.shape_cast %reshape3A_758 : vector<4x256x32xf32> to vector<1x4x256x32xf32>
    tpu.vector_store %arg22[%swap3A_759, %swap3A_760, %swap3A_761, %swap3A_762], %swap3A_765 {strides = array<i32>} : memref<4x4x256x32xf32, #tpu.memory_space<vmem>>, vector<1x4x256x32xf32>,
    %get3A_766 = arith.constant 0 : index
    %get3A_767 = arith.constant 0 : index
    %get3A_768 = vector.load %arg16[%get3A_766, %get3A_767] : memref<33x64xf32, #tpu.memory_space<vmem>>, vector<33x64xf32>
    %get3A_769 = arith.constant 0 : index
    %get3A_770 = arith.constant 0 : index
    %get3A_771 = vector.load %arg17[%get3A_769, %get3A_770] : memref<33x64xf32, #tpu.memory_space<vmem>>, vector<33x64xf32>
    %get3A_772 = arith.constant 0 : index
    %get3A_773 = arith.constant 0 : index
    %get3A_774 = vector.load %arg18[%get3A_772, %get3A_773] : memref<1x64xf32, #tpu.memory_space<vmem>>, vector<1x64xf32>
    %get3A_775 = arith.constant 0 : index
    %get3A_776 = arith.constant 0 : index
    %get3A_777 = vector.load %arg19[%get3A_775, %get3A_776] : memref<33x32xf32, #tpu.memory_space<vmem>>, vector<33x32xf32>
    %get3A_778 = arith.constant 0 : index
    %get3A_779 = arith.constant 0 : index
    %get3A_780 = vector.load %arg20[%get3A_778, %get3A_779] : memref<33x32xf32, #tpu.memory_space<vmem>>, vector<33x32xf32>
    %get3A_781 = arith.constant 0 : index
    %get3A_782 = arith.constant 0 : index
    %get3A_783 = vector.load %arg21[%get3A_781, %get3A_782] : memref<1x32xf32, #tpu.memory_space<vmem>>, vector<1x32xf32>
    %concatenate3A_784 = tpu.concatenate %broadcast_in_dim3A_447, %reshape3A_758 in 2 : vector<4x256x1xf32>, vector<4x256x32xf32> -> vector<4x256x33xf32>
    %slice3A_785 = vector.extract_strided_slice %concatenate3A_784 {offsets = [0, 0, 0], sizes = [1, 256, 33], strides = [1, 1, 1]} : vector<4x256x33xf32> to vector<1x256x33xf32>
    %squeeze3A_786 = vector.shape_cast %slice3A_785 : vector<1x256x33xf32> to vector<256x33xf32>
    %dot_general3A_787 = arith.constant dense<0.000000e+00> : vector<256x33xf32>
    %dot_general3A_788 = tpu.matmul %get3A_33, %squeeze3A_786, %dot_general3A_787 {dimension_numbers = #tpu.dot_dimension_numbers<[1], [0], [0], [1], [0, 0, 1, 1], [], []>, precision = #tpu.contract_precision<fp32>, transpose_lhs_hint = false} : vector<256x256xf32>, vector<256x33xf32>, vector<256x33xf32> -> vector<256x33xf32>
    %slice3A_789 = vector.extract_strided_slice %concatenate3A_784 {offsets = [1, 0, 0], sizes = [1, 256, 33], strides = [1, 1, 1]} : vector<4x256x33xf32> to vector<1x256x33xf32>
    %squeeze3A_790 = vector.shape_cast %slice3A_789 : vector<1x256x33xf32> to vector<256x33xf32>
    %dot_general3A_791 = arith.constant dense<0.000000e+00> : vector<256x33xf32>
    %dot_general3A_792 = tpu.matmul %get3A_33, %squeeze3A_790, %dot_general3A_791 {dimension_numbers = #tpu.dot_dimension_numbers<[1], [0], [0], [1], [0, 0, 1, 1], [], []>, precision = #tpu.contract_precision<fp32>, transpose_lhs_hint = false} : vector<256x256xf32>, vector<256x33xf32>, vector<256x33xf32> -> vector<256x33xf32>
    %slice3A_793 = vector.extract_strided_slice %concatenate3A_784 {offsets = [2, 0, 0], sizes = [1, 256, 33], strides = [1, 1, 1]} : vector<4x256x33xf32> to vector<1x256x33xf32>
    %squeeze3A_794 = vector.shape_cast %slice3A_793 : vector<1x256x33xf32> to vector<256x33xf32>
    %dot_general3A_795 = arith.constant dense<0.000000e+00> : vector<256x33xf32>
    %dot_general3A_796 = tpu.matmul %get3A_33, %squeeze3A_794, %dot_general3A_795 {dimension_numbers = #tpu.dot_dimension_numbers<[1], [0], [0], [1], [0, 0, 1, 1], [], []>, precision = #tpu.contract_precision<fp32>, transpose_lhs_hint = false} : vector<256x256xf32>, vector<256x33xf32>, vector<256x33xf32> -> vector<256x33xf32>
    %slice3A_797 = vector.extract_strided_slice %concatenate3A_784 {offsets = [3, 0, 0], sizes = [1, 256, 33], strides = [1, 1, 1]} : vector<4x256x33xf32> to vector<1x256x33xf32>
    %squeeze3A_798 = vector.shape_cast %slice3A_797 : vector<1x256x33xf32> to vector<256x33xf32>
    %dot_general3A_799 = arith.constant dense<0.000000e+00> : vector<256x33xf32>
    %dot_general3A_800 = tpu.matmul %get3A_33, %squeeze3A_798, %dot_general3A_799 {dimension_numbers = #tpu.dot_dimension_numbers<[1], [0], [0], [1], [0, 0, 1, 1], [], []>, precision = #tpu.contract_precision<fp32>, transpose_lhs_hint = false} : vector<256x256xf32>, vector<256x33xf32>, vector<256x33xf32> -> vector<256x33xf32>
    %stack3A_801 = vector.shape_cast %dot_general3A_788 : vector<256x33xf32> to vector<1x256x33xf32>
    %stack3A_802 = vector.shape_cast %dot_general3A_792 : vector<256x33xf32> to vector<1x256x33xf32>
    %stack3A_803 = vector.shape_cast %dot_general3A_796 : vector<256x33xf32> to vector<1x256x33xf32>
    %stack3A_804 = vector.shape_cast %dot_general3A_800 : vector<256x33xf32> to vector<1x256x33xf32>
    %stack3A_805 = tpu.concatenate %stack3A_801, %stack3A_802, %stack3A_803, %stack3A_804 in 0 : vector<1x256x33xf32>, vector<1x256x33xf32>, vector<1x256x33xf32>, vector<1x256x33xf32> -> vector<4x256x33xf32>
    %reshape3A_806 = vector.shape_cast %concatenate3A_784 : vector<4x256x33xf32> to vector<1024x33xf32>
    %reshape3A_807 = vector.shape_cast %stack3A_805 : vector<4x256x33xf32> to vector<1024x33xf32>
    %dot_general3A_808 = arith.constant dense<0.000000e+00> : vector<1024x64xf32>
    %dot_general3A_809 = tpu.matmul %reshape3A_806, %get3A_768, %dot_general3A_808 {dimension_numbers = #tpu.dot_dimension_numbers<[1], [0], [0], [1], [0, 0, 1, 1], [], []>, transpose_lhs_hint = false} : vector<1024x33xf32>, vector<33x64xf32>, vector<1024x64xf32> -> vector<1024x64xf32>
    %dot_general3A_810 = arith.constant dense<0.000000e+00> : vector<1024x64xf32>
    %dot_general3A_811 = tpu.matmul %reshape3A_807, %get3A_771, %dot_general3A_810 {dimension_numbers = #tpu.dot_dimension_numbers<[1], [0], [0], [1], [0, 0, 1, 1], [], []>, transpose_lhs_hint = false} : vector<1024x33xf32>, vector<33x64xf32>, vector<1024x64xf32> -> vector<1024x64xf32>
    %add3A_812 = arith.addf %dot_general3A_809, %dot_general3A_811 : vector<1024x64xf32>
    %add3A_813 = vector.broadcast %get3A_774 : vector<1x64xf32> to vector<1024x64xf32>
    %add3A_814 = arith.addf %add3A_812, %add3A_813 : vector<1024x64xf32>
    %logistic3A_815 = arith.negf %add3A_814 : vector<1024x64xf32>
    %logistic3A_816 = math.exp %logistic3A_815 : vector<1024x64xf32>
    %logistic3A_817 = arith.constant 1.000000e+00 : f32
    %logistic3A_818 = vector.broadcast %logistic3A_817 : f32 to vector<1024x64xf32>
    %logistic3A_819 = arith.addf %logistic3A_818, %logistic3A_816 : vector<1024x64xf32>
    %logistic3A_820 = arith.divf %logistic3A_818, %logistic3A_819 : vector<1024x64xf32>
    %slice3A_821 = vector.extract_strided_slice %logistic3A_820 {offsets = [0, 0], sizes = [1024, 32], strides = [1, 1]} : vector<1024x64xf32> to vector<1024x32xf32>
    %slice3A_822 = vector.extract_strided_slice %logistic3A_820 {offsets = [0, 32], sizes = [1024, 32], strides = [1, 1]} : vector<1024x64xf32> to vector<1024x32xf32>
    %reshape3A_823 = vector.shape_cast %reshape3A_758 : vector<4x256x32xf32> to vector<1024x32xf32>
    %mul3A_824 = arith.mulf %slice3A_821, %reshape3A_823 : vector<1024x32xf32>
    %reshape3A_825 = vector.shape_cast %broadcast_in_dim3A_447 : vector<4x256x1xf32> to vector<1024x1xf32>
    %concatenate3A_826 = tpu.concatenate %reshape3A_825, %mul3A_824 in 1 : vector<1024x1xf32>, vector<1024x32xf32> -> vector<1024x33xf32>
    %reshape3A_827 = vector.shape_cast %concatenate3A_826 : vector<1024x33xf32> to vector<4x256x33xf32>
    %slice3A_828 = vector.extract_strided_slice %reshape3A_827 {offsets = [0, 0, 0], sizes = [1, 256, 33], strides = [1, 1, 1]} : vector<4x256x33xf32> to vector<1x256x33xf32>
    %squeeze3A_829 = vector.shape_cast %slice3A_828 : vector<1x256x33xf32> to vector<256x33xf32>
    %dot_general3A_830 = arith.constant dense<0.000000e+00> : vector<256x33xf32>
    %dot_general3A_831 = tpu.matmul %get3A_33, %squeeze3A_829, %dot_general3A_830 {dimension_numbers = #tpu.dot_dimension_numbers<[1], [0], [0], [1], [0, 0, 1, 1], [], []>, precision = #tpu.contract_precision<fp32>, transpose_lhs_hint = false} : vector<256x256xf32>, vector<256x33xf32>, vector<256x33xf32> -> vector<256x33xf32>
    %slice3A_832 = vector.extract_strided_slice %reshape3A_827 {offsets = [1, 0, 0], sizes = [1, 256, 33], strides = [1, 1, 1]} : vector<4x256x33xf32> to vector<1x256x33xf32>
    %squeeze3A_833 = vector.shape_cast %slice3A_832 : vector<1x256x33xf32> to vector<256x33xf32>
    %dot_general3A_834 = arith.constant dense<0.000000e+00> : vector<256x33xf32>
    %dot_general3A_835 = tpu.matmul %get3A_33, %squeeze3A_833, %dot_general3A_834 {dimension_numbers = #tpu.dot_dimension_numbers<[1], [0], [0], [1], [0, 0, 1, 1], [], []>, precision = #tpu.contract_precision<fp32>, transpose_lhs_hint = false} : vector<256x256xf32>, vector<256x33xf32>, vector<256x33xf32> -> vector<256x33xf32>
    %slice3A_836 = vector.extract_strided_slice %reshape3A_827 {offsets = [2, 0, 0], sizes = [1, 256, 33], strides = [1, 1, 1]} : vector<4x256x33xf32> to vector<1x256x33xf32>
    %squeeze3A_837 = vector.shape_cast %slice3A_836 : vector<1x256x33xf32> to vector<256x33xf32>
    %dot_general3A_838 = arith.constant dense<0.000000e+00> : vector<256x33xf32>
    %dot_general3A_839 = tpu.matmul %get3A_33, %squeeze3A_837, %dot_general3A_838 {dimension_numbers = #tpu.dot_dimension_numbers<[1], [0], [0], [1], [0, 0, 1, 1], [], []>, precision = #tpu.contract_precision<fp32>, transpose_lhs_hint = false} : vector<256x256xf32>, vector<256x33xf32>, vector<256x33xf32> -> vector<256x33xf32>
    %slice3A_840 = vector.extract_strided_slice %reshape3A_827 {offsets = [3, 0, 0], sizes = [1, 256, 33], strides = [1, 1, 1]} : vector<4x256x33xf32> to vector<1x256x33xf32>
    %squeeze3A_841 = vector.shape_cast %slice3A_840 : vector<1x256x33xf32> to vector<256x33xf32>
    %dot_general3A_842 = arith.constant dense<0.000000e+00> : vector<256x33xf32>
    %dot_general3A_843 = tpu.matmul %get3A_33, %squeeze3A_841, %dot_general3A_842 {dimension_numbers = #tpu.dot_dimension_numbers<[1], [0], [0], [1], [0, 0, 1, 1], [], []>, precision = #tpu.contract_precision<fp32>, transpose_lhs_hint = false} : vector<256x256xf32>, vector<256x33xf32>, vector<256x33xf32> -> vector<256x33xf32>
    %stack3A_844 = vector.shape_cast %dot_general3A_831 : vector<256x33xf32> to vector<1x256x33xf32>
    %stack3A_845 = vector.shape_cast %dot_general3A_835 : vector<256x33xf32> to vector<1x256x33xf32>
    %stack3A_846 = vector.shape_cast %dot_general3A_839 : vector<256x33xf32> to vector<1x256x33xf32>
    %stack3A_847 = vector.shape_cast %dot_general3A_843 : vector<256x33xf32> to vector<1x256x33xf32>
    %stack3A_848 = tpu.concatenate %stack3A_844, %stack3A_845, %stack3A_846, %stack3A_847 in 0 : vector<1x256x33xf32>, vector<1x256x33xf32>, vector<1x256x33xf32>, vector<1x256x33xf32> -> vector<4x256x33xf32>
    %reshape3A_849 = vector.shape_cast %stack3A_848 : vector<4x256x33xf32> to vector<1024x33xf32>
    %dot_general3A_850 = arith.constant dense<0.000000e+00> : vector<1024x32xf32>
    %dot_general3A_851 = tpu.matmul %concatenate3A_826, %get3A_777, %dot_general3A_850 {dimension_numbers = #tpu.dot_dimension_numbers<[1], [0], [0], [1], [0, 0, 1, 1], [], []>, transpose_lhs_hint = false} : vector<1024x33xf32>, vector<33x32xf32>, vector<1024x32xf32> -> vector<1024x32xf32>
    %dot_general3A_852 = arith.constant dense<0.000000e+00> : vector<1024x32xf32>
    %dot_general3A_853 = tpu.matmul %reshape3A_849, %get3A_780, %dot_general3A_852 {dimension_numbers = #tpu.dot_dimension_numbers<[1], [0], [0], [1], [0, 0, 1, 1], [], []>, transpose_lhs_hint = false} : vector<1024x33xf32>, vector<33x32xf32>, vector<1024x32xf32> -> vector<1024x32xf32>
    %add3A_854 = arith.addf %dot_general3A_851, %dot_general3A_853 : vector<1024x32xf32>
    %add3A_855 = vector.broadcast %get3A_783 : vector<1x32xf32> to vector<1024x32xf32>
    %add3A_856 = arith.addf %add3A_854, %add3A_855 : vector<1024x32xf32>
    %tanh3A_857 = math.tanh %add3A_856 : vector<1024x32xf32>
    %mul3A_858 = arith.mulf %slice3A_822, %reshape3A_823 : vector<1024x32xf32>
    %sub3A_859 = arith.constant 1.000000e+00 : f32
    %sub3A_860 = vector.broadcast %sub3A_859 : f32 to vector<1024x32xf32>
    %sub3A_861 = arith.subf %sub3A_860, %slice3A_822 : vector<1024x32xf32>
    %mul3A_862 = arith.mulf %sub3A_861, %tanh3A_857 : vector<1024x32xf32>
    %add3A_863 = arith.addf %mul3A_858, %mul3A_862 : vector<1024x32xf32>
    %reshape3A_864 = vector.shape_cast %add3A_863 : vector<1024x32xf32> to vector<4x256x32xf32>
    %swap3A_865 = arith.constant 3 : index
    %swap3A_866 = arith.constant 0 : index
    %swap3A_867 = arith.constant 0 : index
    %swap3A_868 = arith.constant 0 : index
    %swap3A_869 = vector.load %arg22[%swap3A_865, %swap3A_866, %swap3A_867, %swap3A_868] : memref<4x4x256x32xf32, #tpu.memory_space<vmem>>, vector<1x4x256x32xf32>
    %swap3A_870 = vector.shape_cast %swap3A_869 : vector<1x4x256x32xf32> to vector<4x256x32xf32>
    %swap3A_871 = vector.shape_cast %reshape3A_864 : vector<4x256x32xf32> to vector<1x4x256x32xf32>
    tpu.vector_store %arg22[%swap3A_865, %swap3A_866, %swap3A_867, %swap3A_868], %swap3A_871 {strides = array<i32>} : memref<4x4x256x32xf32, #tpu.memory_space<vmem>>, vector<1x4x256x32xf32>,
    return
  }
}

</mosaic_0001>

<sc_bundles>
// kernel: gather_offload_async_start.1
scs
__scs_entry_jumppad:
0x0: {  	(pc) =	sbr.rel $0x88, $3  }
0x1: {  	(tag) =	ssettag $0x0;
	lr =	simm.s32 $0x1  }
0x2: {  	[smem:$0x3F8D] =	sst lr;
	_ =	strace $0xD0000000  }
0x3: {  	_ = 	snop  }
0x4: {  	_ = 	snop  }
0x5: {  	_ = 	snop  }
0x6: {  	_ = 	snop  }
0x7: {  	_ = 	snop  }
__scs_overlays_trampoline_lowered:
0x8: {  	[smem:$0x3F9C] =	sst s0  }
0x9: {  	[smem:$0x3F9D] =	sst s1  }
0xa: {  	[smem:$0x3F9E] =	sst s2  }
0xb: {  	[smem:$0x3F9F] =	sst s3  }
0xc: {  	[smem:$0x3FA0] =	sst s4  }
0xd: {  	[smem:$0x3FA1] =	sst s5  }
0xe: {  	[smem:$0x3FA2] =	sst s6  }
0xf: {  	[smem:$0x3FA3] =	sst s7  }
0x10: {  	[smem:$0x3FA4] =	sst s8  }
0x11: {  	[smem:$0x3FA5] =	sst s9;
	s0 =	simm.s32 @!p0 $0x0  }
0x12: {  	s1 =	sld [smem:$0x3F8B];
	s0 =	simm.s32 @p0 $0x1  }
0x13: {  	[smem:$0x3FA6] =	sst s0;
	s0 =	simm.s32 @!p1 $0x0  }
0x14: {  	s2 =	sld [smem:$0x3F8A];
	s0 =	simm.s32 @p1 $0x1  }
0x15: {  	[smem:$0x3FA7] =	sst s0;
	s0 =	simm.s32 @!p2 $0x0  }
0x16: {  	s3 =	sld [smem:$0x3FDB];
	s0 =	simm.s32 @p2 $0x1  }
0x17: {  	s4 =	simm.s32 $0x1BF5;
	[smem:$0x3FA9] =	sst s0  }
0x18: {  	s0 =	sld [smem:$0x3F8C];
	_ =	swait.ge [sflag:s4], $0x0  }
0x19: {  	s7 =	sld [smem:$0x3F8D]  }
0x1a: {  	s8 =	sadd.s32 $0xFFFFE003, lr  }
0x1b: {  	s9 =	sadd.s32 $0xFFFFFEF7, lr;
	s5 =	simm.s32 $0xFFFFFFFF;
	p2 =	slt.u32 s8, $0xFFFFF086  }
0x1c: {  	p1 =	slt.u32 s9, $0xF7A;
	s5 =	simm.s32 @!p2 $0x0  }
0x1d: {  	s5 =	simm.s32 @p1 $0x1;
	p0 =	seq.s32 s7, s2  }
0x1e: {  	s7 =	smul.u32 @!p0 $0xF7A, s2;
	p2 =	seq.s32 @!p0 s5, $0x0  }
0x1f: {  	s9 =	smul.u32 $0xF7A, s1;
	s8 =	simm.s32 @!p0 $0x1BF5;
	p2 =	por !p2, p0  }
0x20: {  	[sflag:s8] =	ssyncset.s32 @!p0 $0xFFFFF086;
	s6 =	sadd.s32 @!p0 s3, s7;
	s7 =	simm.s32 @!p0 $0x108  }
0x21: {  	s3 =	sadd.s32 s3, s9;
	s6 =	sadd.s32 @!p0 $0x88, s6;
	s7 =	simm.s32 @p2 $0x1082  }
0x22: {  	[simem:s7], [sflag:s8] =	dma.local @!p0 [hbm:s6], $0xF7A  }
0x23: {  	s9 =	sor.u32 $0xD0000000, s2;
	s6 =	simm.s32 $0x108;
	_ =	swait.ge @!p0 [sflag:s8], $0x0  }
0x24: {  	s3 =	sadd.s32 $0x88, s3;
	s6 =	simm.s32 @!p1 $0x1082;
	[sflag:s4] =	ssyncset.s32 $0xFFFFF086  }
0x25: {  	[simem:s6], [sflag:s4] =	dma.local [hbm:s3], $0xF7A  }
0x26: {  	[smem:$0x3F8D] =	sst s1;
	(tag) =	ssettag s2;
	_ =	strace s9  }
0x27: {  	s1 =	sld [smem:$0x3F9D]  }
0x28: {  	s2 =	sld [smem:$0x3F9E]  }
0x29: {  	s4 =	sld [smem:$0x3FA0]  }
0x2a: {  	p0 =	seq.s32 s5, $0x0;
	s5 =	sld [smem:$0x3FA1]  }
0x2b: {  	s6 =	sld [smem:$0x3FA2]  }
0x2c: {  	s7 =	sld [smem:$0x3FA3]  }
0x2d: {  	s3 =	simm.s32 $0x108;
	s8 =	sld [smem:$0x3FA4]  }
0x2e: {  	s3 =	simm.s32 @!p0 $0x1082;
	s9 =	sld [smem:$0x3FA5]  }
0x2f: {  	lr =	sadd.s32 s0, s3;
	s0 =	sld [smem:$0x3F9C]  }
0x30: {  	s3 =	sld [smem:$0x3F9F]  }
0x31: {  	[smem:$0x3FA8] =	sst s10  }
0x32: {  	s10 =	sld [smem:$0x3FA6];
	_ =	sdelay $0x3  }
0x33: {  	p0 =	seq.s32 s10, $0x1;
	s10 =	sld [smem:$0x3FA8];
	_ =	sdelay $0x3  }
0x34: {  	[smem:$0x3FA8] =	sst s10  }
0x35: {  	s10 =	sld [smem:$0x3FA7];
	_ =	sdelay $0x3  }
0x36: {  	p1 =	seq.s32 s10, $0x1;
	s10 =	sld [smem:$0x3FA8];
	_ =	sdelay $0x3  }
0x37: {  	[smem:$0x3FA8] =	sst s10  }
0x38: {  	s10 =	sld [smem:$0x3FA9]  }
0x39: {  	_ = 	snop;
	(pc) =	sbr.ind lr, $3  }
0x3a: {  	_ = 	snop  }
0x3b: {  	_ = 	snop  }
0x3c: {  	p2 =	seq.s32 s10, $0x1;
	s10 =	sld [smem:$0x3FA8]  }
0x3d: {  	_ =	shalt  }
0x3e: {  	_ =	shalt  }
0x3f: {  	_ =	shalt  }
0x40: {  	_ =	shalt  }
0x41: {  	_ =	shalt  }
0x42: {  	_ =	shalt  }
0x43: {  	_ =	shalt  }
0x44: {  	_ =	shalt  }
0x45: {  	_ =	shalt  }
0x46: {  	_ =	shalt  }
0x47: {  	_ =	shalt  }
0x48: {  	_ =	shalt  }
0x49: {  	_ =	shalt  }
0x4a: {  	_ =	shalt  }
0x4b: {  	_ =	shalt  }
0x4c: {  	_ =	shalt  }
0x4d: {  	_ =	shalt  }
0x4e: {  	_ =	shalt  }
0x4f: {  	_ =	shalt  }
0x50: {  	_ =	shalt  }
0x51: {  	_ =	shalt  }
0x52: {  	_ =	shalt  }
0x53: {  	_ =	shalt  }
0x54: {  	_ =	shalt  }
0x55: {  	_ =	shalt  }
0x56: {  	_ =	shalt  }
0x57: {  	_ =	shalt  }
0x58: {  	_ =	shalt  }
0x59: {  	_ =	shalt  }
0x5a: {  	_ =	shalt  }
0x5b: {  	_ =	shalt  }
0x5c: {  	_ =	shalt  }
0x5d: {  	_ =	shalt  }
0x5e: {  	_ =	shalt  }
0x5f: {  	_ =	shalt  }
0x60: {  	_ =	shalt  }
0x61: {  	_ =	shalt  }
0x62: {  	_ =	shalt  }
0x63: {  	_ =	shalt  }
0x64: {  	_ =	shalt  }
0x65: {  	_ =	shalt  }
0x66: {  	_ =	shalt  }
0x67: {  	_ =	shalt  }
0x68: {  	_ =	shalt  }
0x69: {  	_ =	shalt  }
0x6a: {  	_ =	shalt  }
0x6b: {  	_ =	shalt  }
0x6c: {  	_ =	shalt  }
0x6d: {  	_ =	shalt  }
0x6e: {  	_ =	shalt  }
0x6f: {  	_ =	shalt  }
0x70: {  	_ =	shalt  }
0x71: {  	_ =	shalt  }
0x72: {  	_ =	shalt  }
0x73: {  	_ =	shalt  }
0x74: {  	_ =	shalt  }
0x75: {  	_ =	shalt  }
0x76: {  	_ =	shalt  }
0x77: {  	_ =	shalt  }
0x78: {  	_ =	shalt  }
0x79: {  	_ =	shalt  }
0x7a: {  	_ =	shalt  }
0x7b: {  	_ =	shalt  }
0x7c: {  	_ =	shalt  }
0x7d: {  	_ =	shalt  }
0x7e: {  	_ =	shalt  }
0x7f: {  	_ =	shalt  }
0x80: {  	_ =	shalt  }
0x81: {  	_ =	shalt  }
0x82: {  	_ =	shalt  }
0x83: {  	_ =	shalt  }
0x84: {  	_ =	shalt  }
0x85: {  	_ =	shalt  }
0x86: {  	_ =	shalt  }
0x87: {  	_ =	shalt  }
.Lfunc_end0:
.L_simem_size_0:
called_computation.1_lowered:
.L_overlay_start_0:
0x88: {  	s2 =	sld [smem:$0x3FD9]  }
0x89: {  	s3 =	sld [smem:$0x3FFE];
	_ =	sdelay $0x1  }
0x8a: {  	s1 =	srdreg.scid  }
0x8b: {  	s0 =	sand.u32 $0x1, s1  }
0x8c: {  	s17 =	sshll.u32 s0, $0xA;
	s2 =	sadd.s32 s3, s2  }
0x8d: {  	s2 =	sadd.s32 s2, s17  }
0x8e: {  	[smem:$0x3FB4] =	sst s2  }
0x8f: {  	_ = 	snop  }
0x90: {  	s2 =	sld [smem:$0x3FD0];
	(tm) =	ssettm $0x1  }
0x91: {  	s18 =	sld [smem:$0x3FFB];
	_ =	sdelay $0x3  }
0x92: {  	_ =	strace s18  }
0x93: {  	s3 =	sld [smem:$0x3FFC];
	_ =	sdelay $0x3  }
0x94: {  	_ =	strace s3  }
0x95: {  	s3 =	sld [smem:$0x3FFD];
	_ =	sdelay $0x3  }
0x96: {  	_ =	strace s3  }
0x97: {  	_ =	strace $0x8FFFFFFF  }
0x98: {  	s19 =	sld [smem:$0x3FDB];
	_ =	sdelay $0x1  }
0x99: {  	s4 =	simm.s32 $_scs_section_size  }
0x9a: {  	s5 =	simm.s32 $_size__tile_overlayer_lowered;
	s6 =	simm.s32 $_tile_overlayer_lowered  }
0x9b: {  	s22 =	simm.s32 $0x1BFF;
	s21 =	sshll.u32 s6, $0x1;
	s3 =	sadd.s32 s4, s19  }
0x9c: {  	s7 =	simm.s32 $0x0;
	s20 =	sshll.u32 s5, $0x1;
	s5 =	sadd.s32 s21, s3  }
0x9d: {  	[timem:s7], [sflag:s22] =	dma.local [hbm:s5], s20  }
0x9e: {  	_ =	swait.ge [sflag:s22], s20  }
0x9f: {  	s4 =	ssub.s32 $0x0, s20;
	[sflag:s22] =	ssyncset.done $0x0  }
0xa0: {  	[sflag:s22] =	ssyncadd.s32 s4;
	_ =	sdelay $0x1  }
0xa1: {  	s23 =	simm.s32 $0x1B8B  }
0xa2: {  	_ =	swait.ge [sflag:s23], $0x1  }
0xa3: {  	[sflag:s23] =	ssyncset.done $0x0  }
0xa4: {  	s25 =	simm.s32 $0x1B8E;
	s24 =	sld [smem:$0x3FFE];
	[sflag:s23] =	ssyncadd.s32 $0xFFFFFFFF  }
0xa5: {  	s26 =	simm.s32 $execute0_lowered;
	[smem:$0x3FD2] =	sst s25  }
0xa6: {  	s5 =	sshll.u32 s26, $0x1;
	_ =	strace $0x80000049;
	[dreg:$0x1] =	wrdreg $0xFFFFFFFF  }
0xa7: {  	s28 =	simm.s32 $_size_execute0_lowered;
	s3 =	sadd.s32 s3, s5;
	[dreg:$0x0] =	wrdreg $0x0  }
0xa8: {  	s5 =	sshll.u32 s28, $0x1;
	[dreg:$0x2] =	wrdreg s3  }
0xa9: {  	[dreg:$0x3] =	wrdreg s5  }
0xaa: {  	[dreg:$0x4] =	wrdreg $0xC0  }
0xab: {  	_ =	task [dreg:s7], $0x5FFFF  }
0xac: {  	[dreg:$0x1] =	wrdreg $0xFFFFFFFF  }
0xad: {  	[dreg:$0x0] =	wrdreg $0x60  }
0xae: {  	[dreg:$0x2] =	wrdreg s2  }
0xaf: {  	[dreg:$0x3] =	wrdreg s24  }
0xb0: {  	[dreg:$0x4] =	wrdreg $0x9  }
0xb1: {  	_ =	task.clear_ibuf [dreg:s7], $0x5FFFF;
	_ =	strace $0x90000049  }
0xb2: {  	s29 =	simm.s32 $0x9;
	_ =	strace $0x8000004B  }
0xb3: {  	_ =	swait.ge [sflag:s29], $0x1  }
0xb4: {  	[sflag:s29] =	ssyncadd.s32 $0xFFFFFFFF  }
0xb5: {  	_ =	strace $0x9000004B  }
0xb6: {  	_ =	sfence  }
0xb7: {  	s30 =	sld [smem:$0x0];
	_ =	sdelay $0x2  }
0xb8: {  	s31 =	sshll.u32 s1, $0xD;
	s1 =	sshrl.u32 s1, $0x2  }
0xb9: {  	s3 =	sand.u32 $0x4000, s31;
	s1 =	sadd.s32 s1, s30  }
0xba: {  	s0 =	sor.u32 s3, s0;
	s1 =	sshll.u32 s1, $0x11  }
0xbb: {  	s0 =	sor.u32 s1, s0  }
0xbc: {  	s0 =	sadd.s32 $0x8F2B, s0  }
0xbd: {  	[sflag:s0] =	ssyncadd.remote.s32 $0x1  }
0xbe: {  	_ =	sfence.sel $0xFFFF  }
0xbf: {  	[dreg:$0x0] =	wrdreg $0xFFFFFFFF;
	(pc) =	sbr.abs _section_cstart, $3  }
0xc0: {  	[dreg:$0x1] =	wrdreg $0xFFFFFFFF  }
0xc1: {  	_ =	task.clear_ibuf [dreg:s7], $0x2FFFF;
	_ =	strace $0x9FFFFFFF  }
0xc2: {  	(tm) =	ssettm $0x7FFFFFFF  }
0xc3: {  	_ =	shalt  }
tec
execute0_lowered:
.L_overlay_start_1:
0x0: {  	(tag) =	ssettag $0x1  }
0x1: {  	s1 =	srdreg.scid;
	s2 =	rddreg [dreg:$0x0]  }
0x2: {  	s0 =	stileid.u32;
	s5 =	rddreg [dreg:$0x1];
	s6 =	simm.s32 $0x1  }
0x3: {  	s9 =	simm.s32 $0x1;
	s10 =	simm.s32 $0x3;
	s1 =	sshll.u32 s1, $0xA  }
0x4: {  	s13 =	simm.s32 $0x0;
	s3 =	sshll.u32 s0, $0xB;
	s4 =	sand.u32 $0x400, s1  }
0x5: {  	s12 =	simm.s32 $0x0;
	s1 =	rddreg [dreg:$0x2];
	s3 =	sor.u32 s3, s4  }
0x6: {  	_ =	strace $0x8000004A;
	s4 =	sadd.s32 $0x5600, s5;
	s8 =	ssub.s32 $0x10000, s3  }
.Ltmp0:
0x7: {  	s5 =	sadd.s32 $0x21400, s5;
	s7 =	sand.u32 $0x7C00, s8;
	(pc) =	sbr.rel .LBB2_1-.Ltmp0, $4  }
0x8: {  	[sflag:s6] =	ssyncpa.u1 $0x0;
	s11 =	smov.u32 s3;
	p0 =	sne.s32 s7, $0x0  }
0x9: {  	s8 =	sshrl.u32 s8, $0xF;
	s7 =	simm.s32 $0x2;
	s9 =	simm.s32 @!p0 $0x0  }
0xa: {  	[sflag:s7] =	ssyncpa.u1 $0x0;
	p0 =	por $0x0, $0x0;
	s8 =	sadd.s32 s9, s8  }
0xb: {  	vm0 =	vmmov $0xffff;
	[sflag:s10] =	ssyncpa.u1 $0x0;
	s10 =	simm.s32 $0x0;
	s9 =	sadd.s32 $0x1, s8  }
.LBB2_4:
0xc: {  	vm1 =	veq.s32 v0, $0x80000000;
	v63 =	vand.u32 $0xFF, v0;
	v2 =	vand.u32 $0xFF, v2  }
0xd: {  	v0 =	vsel vm1, $0xFFFFFFFF, v63;
	v2 =	vsel vm1, $0xFFFFFFFF, v2  }
0xe: {  	v3 =	vshll.u32 v0, $0x8;
	v4 =	vshll.u32 v2, $0x3  }
0xf: {  	v0 =	vshll.u32 v0, $0x7;
	v3 =	vand.u32 $0xFFFFF800, v3;
	v4 =	vand.u32 $0xFFFFFC00, v4  }
0x10: {  	v0 =	vand.u32 $0x380, v0;
	v3 =	vadd.s32 v3, v4  }
0x11: {  	v2 =	vand.u32 $0x7F, v2;
	v0 =	vor.u32 v0, v3  }
0x12: {  	v0 =	vor.u32 v2, v0;
	_ =	sdelay $0x1  }
0x13: {  	(ifvalue) =	ssetifvalue $0x7FFFFFFF;
	s14 =	sadd.s32 $0x10, s14  }
0x14: {  	[tilespmem:s14], [sflag:$0x1] =	stream.indirect_vreg.gather [hbm4b:s2+s10], $0x1, v1, vm0, $0x4038;
	[tilespmem:$0x1000] =	vst v63  }
0x15: {  	(ifvalue) =	ssetifvalue $0x7FFFFFFF;
	s14 =	sadd.s32 $0x10, s14  }
0x16: {  	[tilespmem:s14], [sflag:$0x1] =	stream.indirect_vreg.gather [hbm4b:s2+s10], $0x1, v0, vm0, $0x4038;
	[tilespmem:$0x1000] =	vst v63  }
0x17: {  	_ =	swait.ge [sflag:s6], $0x400  }
0x18: {  	s30 =	sshrl.u32 s13, $0x3;
	[sflag:s6] =	ssyncset.done $0x0  }
0x19: {  	s31 =	sand.u32 $0x7, s13;
	s14 =	sadd.s32 s5, s30;
	[sflag:s6] =	ssyncadd.s32 $0xFFFFFC00  }
0x1a: {  	[hbm4b:s14+s31] =	stream.linear.scatter [tilespmem:s15], [sflag:$0x3], $0x400, $0x38;
	[tilespmem:$0x1000] =	vst v63  }
.LBB2_5:
0x1b: {  	s15 =	sadd.s32 $0x8000, s11  }
0x1c: {  	p2 =	sgt.s32 s15, $0xFFFF  }
0x1d: {  	s15 =	smov.u32 @p2 s3;
	p2 =	sne.s32 s12, s9  }
.Ltmp1:
0x1e: {  	p1 =	slt.u32 s12, $0x2;
	(pc) =	sbr.rel @!p2 .LBB2_6-.Ltmp1, $4  }
0x1f: {  	s14 =	simm.s32 @!p1 $0x3  }
0x20: {  	s16 =	sadd.s32 $0x1, s12;
	_ =	swait.ge @!p1 [sflag:s14], $0x400  }
0x21: {  	s13 =	smov.u32 s11;
	p0 =	por !p0, !p0;
	[sflag:s14] =	ssyncset.done @!p1 $0x0  }
0x22: {  	s12 =	smov.u32 s16;
	s11 =	smov.u32 s15;
	[sflag:s14] =	ssyncadd.s32 @!p1 $0xFFFFFC00  }
.LBB2_1:
0x23: {  	p1 =	sge.u32 s12, s8  }
0x24: {  	s14 =	sxor.u32 @!p1 $0xFFFFFFFF, s12  }
0x25: {  	s31 =	sadd.s32 $0xFFFFFFFF, s12;
	s15 =	sshrl.u32 @!p1 s11, $0x3;
	s14 =	sshll.u32 @!p1 s14, $0xA  }
0x26: {  	s16 =	sand.u32 @!p1 $0x7, s11;
	s15 =	sadd.s32 @!p1 s4, s15;
	s14 =	sand.u32 @!p1 $0x400, s14  }
0x27: {  	[tilespmem:s14], [sflag:$0x2] =	stream.linear.gather @!p1 [hbm4b:s15+s16], $0x400, $0x38;
	[tilespmem:$0x1000] =	vst v63  }
0x28: {  	p1 =	sge.u32 s31, s8  }
.Ltmp2:
0x29: {  	_ = 	snop;
	(pc) =	sbr.rel @p1 .LBB2_5-.Ltmp2, $1  }
0x2a: {  	_ =	sdelay $0x3  }
0x2b: {  	s14 =	simm.s32 $0x1  }
0x2c: {  	_ =	swait.ge [sflag:s7], $0x400;
	s14 =	simm.s32 @!p0 $0x0  }
0x2d: {  	[sflag:s7] =	ssyncset.done $0x0;
	s14 =	sshll.u32 s14, $0xA  }
0x2e: {  	[sflag:s7] =	ssyncadd.s32 $0xFFFFFC00;
	(ifvalue) =	ssetifvalue $0x7FFFFFFF;
	v0 =	vld.msk [tilespmem:s14+$0x0 ss:$0x1], $0xffff;
	_ =	sdelay $0x3  }
0x2f: {  	s15 =	sadd.s32 $0x10, s14  }
0x30: {  	v2 =	vld.msk [tilespmem:s15+$0x0 ss:$0x1], $0xffff;
	v1 =	vshrl.u32 v0, $0x8  }
0x31: {  	vm1 =	veq.s32 v0, $0x80000000;
	v0 =	vand.u32 $0xFF, v0;
	v1 =	vand.u32 $0xFF, v1  }
0x32: {  	v0 =	vsel vm1, $0xFFFFFFFF, v0;
	v1 =	vsel vm1, $0xFFFFFFFF, v1  }
0x33: {  	v3 =	vshll.u32 v0, $0x8;
	v4 =	vshll.u32 v1, $0x3  }
0x34: {  	v0 =	vshll.u32 v0, $0x7;
	v3 =	vand.u32 $0xFFFFF800, v3;
	v4 =	vand.u32 $0xFFFFFC00, v4  }
0x35: {  	vm1 =	veq.s32 v2, $0x80000000;
	v0 =	vand.u32 $0x380, v0;
	v3 =	vadd.s32 v3, v4  }
0x36: {  	v1 =	vand.u32 $0x7F, v1;
	v0 =	vor.u32 v0, v3;
	v3 =	vshrl.u32 v2, $0x8  }
0x37: {  	s17 =	sadd.s32 $0x10, s15;
	v2 =	vand.u32 $0xFF, v2;
	v1 =	vor.u32 v1, v0;
	v3 =	vand.u32 $0xFF, v3  }
0x38: {  	v0 =	vld.msk [tilespmem:s17+$0x0 ss:$0x1], $0xffff;
	v2 =	vsel vm1, $0xFFFFFFFF, v2;
	v3 =	vsel vm1, $0xFFFFFFFF, v3  }
0x39: {  	v63 =	vshll.u32 v2, $0x8;
	v5 =	vshll.u32 v3, $0x3  }
0x3a: {  	s31 =	sshll.u32 s12, $0xA;
	v2 =	vshll.u32 v2, $0x7;
	v4 =	vand.u32 $0xFFFFF800, v63;
	v5 =	vand.u32 $0xFFFFFC00, v5  }
0x3b: {  	s14 =	sor.u32 $0x800, s14;
	s15 =	sand.u32 $0x400, s31;
	(ifvalue) =	ssetifvalue $0x7FFFFFFF;
	v2 =	vand.u32 $0x380, v2;
	v4 =	vadd.s32 v4, v5  }
0x3c: {  	[tilespmem:s14], [sflag:$0x1] =	stream.indirect_vreg.gather [hbm4b:s2+s10], $0x1, v1, vm0, $0x4038;
	v1 =	vand.u32 $0x7F, v3;
	v3 =	vor.u32 v2, v4;
	[tilespmem:$0x1000] =	vst v63  }
0x3d: {  	s16 =	simm.s32 $0x20;
	s15 =	sor.u32 $0x800, s15;
	s17 =	sadd.s32 $0x10, s17;
	v2 =	vshrl.u32 v0, $0x8;
	v1 =	vor.u32 v1, v3  }
.LBB2_3:
0x3e: {  	s16 =	sadd.s32 $0x10, s16;
	vm1 =	veq.s32 v0, $0x80000000;
	v3 =	vand.u32 $0xFF, v0;
	v0 =	vld.msk [tilespmem:s17+$0x0 ss:$0x1], $0xffff;
	v2 =	vand.u32 $0xFF, v2  }
0x3f: {  	p1 =	slt.u32 s16, $0x3F0;
	v3 =	vsel vm1, $0xFFFFFFFF, v3;
	v2 =	vsel vm1, $0xFFFFFFFF, v2  }
.Ltmp3:
0x40: {  	v4 =	vshll.u32 v3, $0x8;
	v5 =	vshll.u32 v2, $0x3;
	(pc) =	sbr.rel @p1 .LBB2_3-.Ltmp3, $4  }
0x41: {  	s14 =	sadd.s32 $0x10, s14;
	v3 =	vshll.u32 v3, $0x7;
	v4 =	vand.u32 $0xFFFFF800, v4;
	v5 =	vand.u32 $0xFFFFFC00, v5;
	(ifvalue) =	ssetifvalue $0x7FFFFFFF  }
0x42: {  	v3 =	vand.u32 $0x380, v3;
	v4 =	vadd.s32 v4, v5;
	[tilespmem:s14], [sflag:$0x1] =	stream.indirect_vreg.gather [hbm4b:s2+s10], $0x1, v1, vm0, $0x4038;
	[tilespmem:$0x1000] =	vst v63  }
0x43: {  	v1 =	vand.u32 $0x7F, v2;
	v3 =	vor.u32 v3, v4  }
0x44: {  	s17 =	sadd.s32 $0x10, s17;
	v2 =	vshrl.u32 v0, $0x8;
	v1 =	vor.u32 v1, v3  }
.Ltmp4:
0x45: {  	_ = 	snop;
	(pc) =	sbr.rel .LBB2_4-.Ltmp4, $1  }
0x46: {  	_ =	sdelay $0x3  }
.LBB2_6:
0x47: {  	_ =	sfence.sel $0x180000  }
0x48: {  	s2 =	simm.s32 $0x2;
	[bflag:$0x0] =	sbarrier.arrive $0xFFFF  }
0x49: {  	s30 =	simm.s32 $0x3;
	[sflag:s2] =	ssyncpa.u1 $0x1  }
0x4a: {  	s31 =	simm.s32 $0x1;
	[sflag:s30] =	ssyncpa.u1 $0x1  }
0x4b: {  	[sflag:s31] =	ssyncpa.u1 $0x1  }
0x4c: {  	p0 =	sne.s32 s0, $0x0;
	_ =	strace $0x9000004A  }
0x4d: {  	s0 =	sadd.s32 @!p0 $0x100000, s1;
	[bflag:$0x2] =	sbarrier.arrive $0xFFFF  }
0x4e: {  	[sflag:s0] =	ssyncadd.tile.s32 @!p0 $0x1;
	_ =	shalt  }
.Lfunc_end2:
_tile_overlayer_lowered:
.L_overlay_start_2:
0x4f: {  	(tag) =	ssettag $0x2  }
0x50: {  	s0 =	rddreg [dreg:$0x0];
	s2 =	stileid.u32  }
0x51: {  	s1 =	rddreg [dreg:$0x1];
	p0 =	sne.s32 s2, $0x0  }
0x52: {  	s3 =	rddreg [dreg:$0x2];
	[bflag:$0x3] =	sbarrier.arrive $0xFFFF;
	s2 =	simm.s32 @!p0 $0x1C01  }
0x53: {  	[timem:s3], [sflag:s2] =	dma.local @!p0 [hbm:s0], s1  }
0x54: {  	s0 =	simm.s32 @!p0 $0x1  }
0x55: {  	_ =	swait.ge @!p0 [sflag:s0], s1  }
0x56: {  	s1 =	ssub.s32 @!p0 $0x0, s1;
	[sflag:s0] =	ssyncset.done @!p0 $0x0  }
0x57: {  	[sflag:s0] =	ssyncadd.s32 @!p0 s1  }
0x58: {  	[bflag:$0x3] =	sbarrier.arrive $0xFFFF  }
0x59: {  	_ =	shalt  }

// kernel: gather_offload_async_start
scs
__scs_entry_jumppad:
0x0: {  	(pc) =	sbr.rel $0x88, $3  }
0x1: {  	(tag) =	ssettag $0x0;
	lr =	simm.s32 $0x1  }
0x2: {  	[smem:$0x3F8D] =	sst lr;
	_ =	strace $0xD0000000  }
0x3: {  	_ = 	snop  }
0x4: {  	_ = 	snop  }
0x5: {  	_ = 	snop  }
0x6: {  	_ = 	snop  }
0x7: {  	_ = 	snop  }
__scs_overlays_trampoline_lowered:
0x8: {  	[smem:$0x3F9C] =	sst s0  }
0x9: {  	[smem:$0x3F9D] =	sst s1  }
0xa: {  	[smem:$0x3F9E] =	sst s2  }
0xb: {  	[smem:$0x3F9F] =	sst s3  }
0xc: {  	[smem:$0x3FA0] =	sst s4  }
0xd: {  	[smem:$0x3FA1] =	sst s5  }
0xe: {  	[smem:$0x3FA2] =	sst s6  }
0xf: {  	[smem:$0x3FA3] =	sst s7  }
0x10: {  	[smem:$0x3FA4] =	sst s8  }
0x11: {  	[smem:$0x3FA5] =	sst s9;
	s0 =	simm.s32 @!p0 $0x0  }
0x12: {  	s1 =	sld [smem:$0x3F8B];
	s0 =	simm.s32 @p0 $0x1  }
0x13: {  	[smem:$0x3FA6] =	sst s0;
	s0 =	simm.s32 @!p1 $0x0  }
0x14: {  	s2 =	sld [smem:$0x3F8A];
	s0 =	simm.s32 @p1 $0x1  }
0x15: {  	[smem:$0x3FA7] =	sst s0;
	s0 =	simm.s32 @!p2 $0x0  }
0x16: {  	s3 =	sld [smem:$0x3FDB];
	s0 =	simm.s32 @p2 $0x1  }
0x17: {  	s4 =	simm.s32 $0x1BF5;
	[smem:$0x3FA9] =	sst s0  }
0x18: {  	s0 =	sld [smem:$0x3F8C];
	_ =	swait.ge [sflag:s4], $0x0  }
0x19: {  	s7 =	sld [smem:$0x3F8D]  }
0x1a: {  	s8 =	sadd.s32 $0xFFFFE003, lr  }
0x1b: {  	s9 =	sadd.s32 $0xFFFFFEF7, lr;
	s5 =	simm.s32 $0xFFFFFFFF;
	p2 =	slt.u32 s8, $0xFFFFF086  }
0x1c: {  	p1 =	slt.u32 s9, $0xF7A;
	s5 =	simm.s32 @!p2 $0x0  }
0x1d: {  	s5 =	simm.s32 @p1 $0x1;
	p0 =	seq.s32 s7, s2  }
0x1e: {  	s7 =	smul.u32 @!p0 $0xF7A, s2;
	p2 =	seq.s32 @!p0 s5, $0x0  }
0x1f: {  	s9 =	smul.u32 $0xF7A, s1;
	s8 =	simm.s32 @!p0 $0x1BF5;
	p2 =	por !p2, p0  }
0x20: {  	[sflag:s8] =	ssyncset.s32 @!p0 $0xFFFFF086;
	s6 =	sadd.s32 @!p0 s3, s7;
	s7 =	simm.s32 @!p0 $0x108  }
0x21: {  	s3 =	sadd.s32 s3, s9;
	s6 =	sadd.s32 @!p0 $0x88, s6;
	s7 =	simm.s32 @p2 $0x1082  }
0x22: {  	[simem:s7], [sflag:s8] =	dma.local @!p0 [hbm:s6], $0xF7A  }
0x23: {  	s9 =	sor.u32 $0xD0000000, s2;
	s6 =	simm.s32 $0x108;
	_ =	swait.ge @!p0 [sflag:s8], $0x0  }
0x24: {  	s3 =	sadd.s32 $0x88, s3;
	s6 =	simm.s32 @!p1 $0x1082;
	[sflag:s4] =	ssyncset.s32 $0xFFFFF086  }
0x25: {  	[simem:s6], [sflag:s4] =	dma.local [hbm:s3], $0xF7A  }
0x26: {  	[smem:$0x3F8D] =	sst s1;
	(tag) =	ssettag s2;
	_ =	strace s9  }
0x27: {  	s1 =	sld [smem:$0x3F9D]  }
0x28: {  	s2 =	sld [smem:$0x3F9E]  }
0x29: {  	s4 =	sld [smem:$0x3FA0]  }
0x2a: {  	p0 =	seq.s32 s5, $0x0;
	s5 =	sld [smem:$0x3FA1]  }
0x2b: {  	s6 =	sld [smem:$0x3FA2]  }
0x2c: {  	s7 =	sld [smem:$0x3FA3]  }
0x2d: {  	s3 =	simm.s32 $0x108;
	s8 =	sld [smem:$0x3FA4]  }
0x2e: {  	s3 =	simm.s32 @!p0 $0x1082;
	s9 =	sld [smem:$0x3FA5]  }
0x2f: {  	lr =	sadd.s32 s0, s3;
	s0 =	sld [smem:$0x3F9C]  }
0x30: {  	s3 =	sld [smem:$0x3F9F]  }
0x31: {  	[smem:$0x3FA8] =	sst s10  }
0x32: {  	s10 =	sld [smem:$0x3FA6];
	_ =	sdelay $0x3  }
0x33: {  	p0 =	seq.s32 s10, $0x1;
	s10 =	sld [smem:$0x3FA8];
	_ =	sdelay $0x3  }
0x34: {  	[smem:$0x3FA8] =	sst s10  }
0x35: {  	s10 =	sld [smem:$0x3FA7];
	_ =	sdelay $0x3  }
0x36: {  	p1 =	seq.s32 s10, $0x1;
	s10 =	sld [smem:$0x3FA8];
	_ =	sdelay $0x3  }
0x37: {  	[smem:$0x3FA8] =	sst s10  }
0x38: {  	s10 =	sld [smem:$0x3FA9]  }
0x39: {  	_ = 	snop;
	(pc) =	sbr.ind lr, $3  }
0x3a: {  	_ = 	snop  }
0x3b: {  	_ = 	snop  }
0x3c: {  	p2 =	seq.s32 s10, $0x1;
	s10 =	sld [smem:$0x3FA8]  }
0x3d: {  	_ =	shalt  }
0x3e: {  	_ =	shalt  }
0x3f: {  	_ =	shalt  }
0x40: {  	_ =	shalt  }
0x41: {  	_ =	shalt  }
0x42: {  	_ =	shalt  }
0x43: {  	_ =	shalt  }
0x44: {  	_ =	shalt  }
0x45: {  	_ =	shalt  }
0x46: {  	_ =	shalt  }
0x47: {  	_ =	shalt  }
0x48: {  	_ =	shalt  }
0x49: {  	_ =	shalt  }
0x4a: {  	_ =	shalt  }
0x4b: {  	_ =	shalt  }
0x4c: {  	_ =	shalt  }
0x4d: {  	_ =	shalt  }
0x4e: {  	_ =	shalt  }
0x4f: {  	_ =	shalt  }
0x50: {  	_ =	shalt  }
0x51: {  	_ =	shalt  }
0x52: {  	_ =	shalt  }
0x53: {  	_ =	shalt  }
0x54: {  	_ =	shalt  }
0x55: {  	_ =	shalt  }
0x56: {  	_ =	shalt  }
0x57: {  	_ =	shalt  }
0x58: {  	_ =	shalt  }
0x59: {  	_ =	shalt  }
0x5a: {  	_ =	shalt  }
0x5b: {  	_ =	shalt  }
0x5c: {  	_ =	shalt  }
0x5d: {  	_ =	shalt  }
0x5e: {  	_ =	shalt  }
0x5f: {  	_ =	shalt  }
0x60: {  	_ =	shalt  }
0x61: {  	_ =	shalt  }
0x62: {  	_ =	shalt  }
0x63: {  	_ =	shalt  }
0x64: {  	_ =	shalt  }
0x65: {  	_ =	shalt  }
0x66: {  	_ =	shalt  }
0x67: {  	_ =	shalt  }
0x68: {  	_ =	shalt  }
0x69: {  	_ =	shalt  }
0x6a: {  	_ =	shalt  }
0x6b: {  	_ =	shalt  }
0x6c: {  	_ =	shalt  }
0x6d: {  	_ =	shalt  }
0x6e: {  	_ =	shalt  }
0x6f: {  	_ =	shalt  }
0x70: {  	_ =	shalt  }
0x71: {  	_ =	shalt  }
0x72: {  	_ =	shalt  }
0x73: {  	_ =	shalt  }
0x74: {  	_ =	shalt  }
0x75: {  	_ =	shalt  }
0x76: {  	_ =	shalt  }
0x77: {  	_ =	shalt  }
0x78: {  	_ =	shalt  }
0x79: {  	_ =	shalt  }
0x7a: {  	_ =	shalt  }
0x7b: {  	_ =	shalt  }
0x7c: {  	_ =	shalt  }
0x7d: {  	_ =	shalt  }
0x7e: {  	_ =	shalt  }
0x7f: {  	_ =	shalt  }
0x80: {  	_ =	shalt  }
0x81: {  	_ =	shalt  }
0x82: {  	_ =	shalt  }
0x83: {  	_ =	shalt  }
0x84: {  	_ =	shalt  }
0x85: {  	_ =	shalt  }
0x86: {  	_ =	shalt  }
0x87: {  	_ =	shalt  }
.Lfunc_end0:
.L_simem_size_0:
called_computation_lowered:
.L_overlay_start_0:
0x88: {  	s2 =	sld [smem:$0x3FD9]  }
0x89: {  	s3 =	sld [smem:$0x3FFE];
	_ =	sdelay $0x1  }
0x8a: {  	s1 =	srdreg.scid  }
0x8b: {  	s0 =	sand.u32 $0x1, s1  }
0x8c: {  	s16 =	sshll.u32 s0, $0xA;
	s2 =	sadd.s32 s3, s2  }
0x8d: {  	s2 =	sadd.s32 s2, s16  }
0x8e: {  	[smem:$0x3FB4] =	sst s2  }
0x8f: {  	_ = 	snop  }
0x90: {  	(tm) =	ssettm $0x1  }
0x91: {  	s17 =	sld [smem:$0x3FFB];
	_ =	sdelay $0x3  }
0x92: {  	_ =	strace s17  }
0x93: {  	s2 =	sld [smem:$0x3FFC];
	_ =	sdelay $0x3  }
0x94: {  	_ =	strace s2  }
0x95: {  	s2 =	sld [smem:$0x3FFD];
	_ =	sdelay $0x3  }
0x96: {  	_ =	strace s2  }
0x97: {  	_ =	strace $0x8FFFFFFF  }
0x98: {  	s18 =	sld [smem:$0x3FDB];
	_ =	sdelay $0x1  }
0x99: {  	s19 =	simm.s32 $_scs_section_size  }
0x9a: {  	s4 =	simm.s32 $_size__tile_overlayer_lowered;
	s5 =	simm.s32 $_tile_overlayer_lowered  }
0x9b: {  	s22 =	simm.s32 $0x1BFF;
	s21 =	sshll.u32 s5, $0x1;
	s2 =	sadd.s32 s19, s18  }
0x9c: {  	s6 =	simm.s32 $0x0;
	s20 =	sshll.u32 s4, $0x1;
	s4 =	sadd.s32 s21, s2  }
0x9d: {  	[timem:s6], [sflag:s22] =	dma.local [hbm:s4], s20  }
0x9e: {  	_ =	swait.ge [sflag:s22], s20  }
0x9f: {  	s3 =	ssub.s32 $0x0, s20;
	[sflag:s22] =	ssyncset.done $0x0  }
0xa0: {  	[sflag:s22] =	ssyncadd.s32 s3;
	_ =	sdelay $0x1  }
0xa1: {  	s23 =	simm.s32 $0x1B8B  }
0xa2: {  	_ =	swait.ge [sflag:s23], $0x1  }
0xa3: {  	[sflag:s23] =	ssyncset.done $0x0  }
0xa4: {  	s25 =	simm.s32 $0x1B8E;
	s24 =	sld [smem:$0x3FFE];
	[sflag:s23] =	ssyncadd.s32 $0xFFFFFFFF  }
0xa5: {  	s26 =	simm.s32 $execute0_lowered;
	[smem:$0x3FD2] =	sst s25  }
0xa6: {  	s4 =	sshll.u32 s26, $0x1;
	_ =	strace $0x80000046;
	[dreg:$0x1] =	wrdreg $0xFFFFFFFF  }
0xa7: {  	s28 =	simm.s32 $_size_execute0_lowered;
	s2 =	sadd.s32 s2, s4;
	[dreg:$0x0] =	wrdreg $0x0  }
0xa8: {  	s4 =	sshll.u32 s28, $0x1;
	[dreg:$0x2] =	wrdreg s2  }
0xa9: {  	[dreg:$0x3] =	wrdreg s4  }
0xaa: {  	[dreg:$0x4] =	wrdreg $0xC0  }
0xab: {  	_ =	task [dreg:s6], $0x5FFFF  }
0xac: {  	[dreg:$0x1] =	wrdreg $0xFFFFFFFF  }
0xad: {  	[dreg:$0x0] =	wrdreg $0x60  }
0xae: {  	[dreg:$0x2] =	wrdreg s24  }
0xaf: {  	[dreg:$0x3] =	wrdreg $0x9  }
0xb0: {  	_ =	task.clear_ibuf [dreg:s6], $0x4FFFF;
	_ =	strace $0x90000046  }
0xb1: {  	s29 =	simm.s32 $0x9;
	_ =	strace $0x80000048  }
0xb2: {  	_ =	swait.ge [sflag:s29], $0x1  }
0xb3: {  	[sflag:s29] =	ssyncadd.s32 $0xFFFFFFFF  }
0xb4: {  	_ =	strace $0x90000048  }
0xb5: {  	_ =	sfence  }
0xb6: {  	s30 =	sld [smem:$0x0];
	_ =	sdelay $0x2  }
0xb7: {  	s31 =	sshll.u32 s1, $0xD;
	s1 =	sshrl.u32 s1, $0x2  }
0xb8: {  	s3 =	sand.u32 $0x4000, s31;
	s1 =	sadd.s32 s1, s30  }
0xb9: {  	s0 =	sor.u32 s3, s0;
	s1 =	sshll.u32 s1, $0x11  }
0xba: {  	s0 =	sor.u32 s1, s0  }
0xbb: {  	s0 =	sadd.s32 $0x8F2B, s0  }
0xbc: {  	[sflag:s0] =	ssyncadd.remote.s32 $0x1  }
0xbd: {  	_ =	sfence.sel $0xFFFF  }
0xbe: {  	[dreg:$0x0] =	wrdreg $0xFFFFFFFF;
	(pc) =	sbr.abs _section_cstart, $3  }
0xbf: {  	[dreg:$0x1] =	wrdreg $0xFFFFFFFF  }
0xc0: {  	_ =	task.clear_ibuf [dreg:s6], $0x2FFFF;
	_ =	strace $0x9FFFFFFF  }
0xc1: {  	(tm) =	ssettm $0x7FFFFFFF  }
tec
execute0_lowered:
.L_overlay_start_1:
0x0: {  	(tag) =	ssettag $0x1  }
0x1: {  	s0 =	srdreg.scid;
	s5 =	rddreg [dreg:$0x0]  }
0x2: {  	s1 =	stileid.u32;
	s6 =	simm.s32 $0x1;
	s9 =	simm.s32 $0x1  }
0x3: {  	s10 =	simm.s32 $0x3;
	s13 =	simm.s32 $0x0;
	s2 =	sshll.u32 s0, $0xA  }
0x4: {  	s12 =	simm.s32 $0x0;
	s3 =	sshll.u32 s1, $0xB;
	s2 =	sand.u32 $0x400, s2  }
0x5: {  	s0 =	rddreg [dreg:$0x1];
	_ =	strace $0x80000047;
	s2 =	sor.u32 s3, s2  }
0x6: {  	s4 =	sadd.s32 $0x5600, s5;
	[sflag:s6] =	ssyncpa.u1 $0x0;
	s8 =	ssub.s32 $0x10000, s2  }
.Ltmp0:
0x7: {  	s3 =	sadd.s32 $0x7600, s5;
	s7 =	sand.u32 $0x7C00, s8;
	(pc) =	sbr.rel .LBB2_1-.Ltmp0, $4  }
0x8: {  	s5 =	sadd.s32 $0x21400, s5;
	s11 =	smov.u32 s2;
	p0 =	sne.s32 s7, $0x0  }
0x9: {  	s8 =	sshrl.u32 s8, $0xF;
	s7 =	simm.s32 $0x2;
	s9 =	simm.s32 @!p0 $0x0  }
0xa: {  	[sflag:s7] =	ssyncpa.u1 $0x0;
	p0 =	por $0x0, $0x0;
	s8 =	sadd.s32 s9, s8  }
0xb: {  	vm0 =	vmmov $0xffff;
	[sflag:s10] =	ssyncpa.u1 $0x0;
	s10 =	simm.s32 $0x0;
	s9 =	sadd.s32 $0x1, s8  }
.LBB2_4:
0xc: {  	vm1 =	veq.s32 v0, $0x80000000;
	v63 =	vand.u32 $0xFF, v0;
	v2 =	vand.u32 $0xFF, v2  }
0xd: {  	v0 =	vsel vm1, $0xFFFFFFFF, v63;
	v2 =	vsel vm1, $0xFFFFFFFF, v2  }
0xe: {  	v3 =	vshll.u32 v0, $0x8;
	v4 =	vshll.u32 v2, $0x3  }
0xf: {  	v0 =	vshll.u32 v0, $0x7;
	v3 =	vand.u32 $0xFFFFF800, v3;
	v4 =	vand.u32 $0xFFFFFC00, v4  }
0x10: {  	v0 =	vand.u32 $0x380, v0;
	v3 =	vadd.s32 v3, v4  }
0x11: {  	v2 =	vand.u32 $0x7F, v2;
	v0 =	vor.u32 v0, v3  }
0x12: {  	v0 =	vor.u32 v2, v0;
	_ =	sdelay $0x1  }
0x13: {  	(ifvalue) =	ssetifvalue $0x7FFFFFFF;
	s14 =	sadd.s32 $0x10, s14  }
0x14: {  	[tilespmem:s14], [sflag:$0x1] =	stream.indirect_vreg.gather [hbm4b:s3+s10], $0x1, v1, vm0, $0x4038;
	[tilespmem:$0x1000] =	vst v63  }
0x15: {  	(ifvalue) =	ssetifvalue $0x7FFFFFFF;
	s14 =	sadd.s32 $0x10, s14  }
0x16: {  	[tilespmem:s14], [sflag:$0x1] =	stream.indirect_vreg.gather [hbm4b:s3+s10], $0x1, v0, vm0, $0x4038;
	[tilespmem:$0x1000] =	vst v63  }
0x17: {  	_ =	swait.ge [sflag:s6], $0x400  }
0x18: {  	s30 =	sshrl.u32 s13, $0x3;
	[sflag:s6] =	ssyncset.done $0x0  }
0x19: {  	s31 =	sand.u32 $0x7, s13;
	s14 =	sadd.s32 s5, s30;
	[sflag:s6] =	ssyncadd.s32 $0xFFFFFC00  }
0x1a: {  	[hbm4b:s14+s31] =	stream.linear.scatter [tilespmem:s15], [sflag:$0x3], $0x400, $0x38;
	[tilespmem:$0x1000] =	vst v63  }
.LBB2_5:
0x1b: {  	s15 =	sadd.s32 $0x8000, s11  }
0x1c: {  	p2 =	sgt.s32 s15, $0xFFFF  }
0x1d: {  	s15 =	smov.u32 @p2 s2;
	p2 =	sne.s32 s12, s9  }
.Ltmp1:
0x1e: {  	p1 =	slt.u32 s12, $0x2;
	(pc) =	sbr.rel @!p2 .LBB2_6-.Ltmp1, $4  }
0x1f: {  	s14 =	simm.s32 @!p1 $0x3  }
0x20: {  	s16 =	sadd.s32 $0x1, s12;
	_ =	swait.ge @!p1 [sflag:s14], $0x400  }
0x21: {  	s13 =	smov.u32 s11;
	p0 =	por !p0, !p0;
	[sflag:s14] =	ssyncset.done @!p1 $0x0  }
0x22: {  	s12 =	smov.u32 s16;
	s11 =	smov.u32 s15;
	[sflag:s14] =	ssyncadd.s32 @!p1 $0xFFFFFC00  }
.LBB2_1:
0x23: {  	p1 =	sge.u32 s12, s8  }
0x24: {  	s14 =	sxor.u32 @!p1 $0xFFFFFFFF, s12  }
0x25: {  	s31 =	sadd.s32 $0xFFFFFFFF, s12;
	s15 =	sshrl.u32 @!p1 s11, $0x3;
	s14 =	sshll.u32 @!p1 s14, $0xA  }
0x26: {  	s16 =	sand.u32 @!p1 $0x7, s11;
	s15 =	sadd.s32 @!p1 s4, s15;
	s14 =	sand.u32 @!p1 $0x400, s14  }
0x27: {  	[tilespmem:s14], [sflag:$0x2] =	stream.linear.gather @!p1 [hbm4b:s15+s16], $0x400, $0x38;
	[tilespmem:$0x1000] =	vst v63  }
0x28: {  	p1 =	sge.u32 s31, s8  }
.Ltmp2:
0x29: {  	_ = 	snop;
	(pc) =	sbr.rel @p1 .LBB2_5-.Ltmp2, $1  }
0x2a: {  	_ =	sdelay $0x3  }
0x2b: {  	s14 =	simm.s32 $0x1  }
0x2c: {  	_ =	swait.ge [sflag:s7], $0x400;
	s14 =	simm.s32 @!p0 $0x0  }
0x2d: {  	[sflag:s7] =	ssyncset.done $0x0;
	s14 =	sshll.u32 s14, $0xA  }
0x2e: {  	[sflag:s7] =	ssyncadd.s32 $0xFFFFFC00;
	(ifvalue) =	ssetifvalue $0x7FFFFFFF;
	v0 =	vld.msk [tilespmem:s14+$0x0 ss:$0x1], $0xffff;
	_ =	sdelay $0x3  }
0x2f: {  	s15 =	sadd.s32 $0x10, s14  }
0x30: {  	v2 =	vld.msk [tilespmem:s15+$0x0 ss:$0x1], $0xffff;
	v1 =	vshrl.u32 v0, $0x8  }
0x31: {  	vm1 =	veq.s32 v0, $0x80000000;
	v0 =	vand.u32 $0xFF, v0;
	v1 =	vand.u32 $0xFF, v1  }
0x32: {  	v0 =	vsel vm1, $0xFFFFFFFF, v0;
	v1 =	vsel vm1, $0xFFFFFFFF, v1  }
0x33: {  	v3 =	vshll.u32 v0, $0x8;
	v4 =	vshll.u32 v1, $0x3  }
0x34: {  	v0 =	vshll.u32 v0, $0x7;
	v3 =	vand.u32 $0xFFFFF800, v3;
	v4 =	vand.u32 $0xFFFFFC00, v4  }
0x35: {  	vm1 =	veq.s32 v2, $0x80000000;
	v0 =	vand.u32 $0x380, v0;
	v3 =	vadd.s32 v3, v4  }
0x36: {  	v1 =	vand.u32 $0x7F, v1;
	v0 =	vor.u32 v0, v3;
	v3 =	vshrl.u32 v2, $0x8  }
0x37: {  	s17 =	sadd.s32 $0x10, s15;
	v2 =	vand.u32 $0xFF, v2;
	v1 =	vor.u32 v1, v0;
	v3 =	vand.u32 $0xFF, v3  }
0x38: {  	v0 =	vld.msk [tilespmem:s17+$0x0 ss:$0x1], $0xffff;
	v2 =	vsel vm1, $0xFFFFFFFF, v2;
	v3 =	vsel vm1, $0xFFFFFFFF, v3  }
0x39: {  	v63 =	vshll.u32 v2, $0x8;
	v5 =	vshll.u32 v3, $0x3  }
0x3a: {  	s31 =	sshll.u32 s12, $0xA;
	v2 =	vshll.u32 v2, $0x7;
	v4 =	vand.u32 $0xFFFFF800, v63;
	v5 =	vand.u32 $0xFFFFFC00, v5  }
0x3b: {  	s14 =	sor.u32 $0x800, s14;
	s15 =	sand.u32 $0x400, s31;
	(ifvalue) =	ssetifvalue $0x7FFFFFFF;
	v2 =	vand.u32 $0x380, v2;
	v4 =	vadd.s32 v4, v5  }
0x3c: {  	[tilespmem:s14], [sflag:$0x1] =	stream.indirect_vreg.gather [hbm4b:s3+s10], $0x1, v1, vm0, $0x4038;
	v1 =	vand.u32 $0x7F, v3;
	v3 =	vor.u32 v2, v4;
	[tilespmem:$0x1000] =	vst v63  }
0x3d: {  	s16 =	simm.s32 $0x20;
	s15 =	sor.u32 $0x800, s15;
	s17 =	sadd.s32 $0x10, s17;
	v2 =	vshrl.u32 v0, $0x8;
	v1 =	vor.u32 v1, v3  }
.LBB2_3:
0x3e: {  	s16 =	sadd.s32 $0x10, s16;
	vm1 =	veq.s32 v0, $0x80000000;
	v3 =	vand.u32 $0xFF, v0;
	v0 =	vld.msk [tilespmem:s17+$0x0 ss:$0x1], $0xffff;
	v2 =	vand.u32 $0xFF, v2  }
0x3f: {  	p1 =	slt.u32 s16, $0x3F0;
	v3 =	vsel vm1, $0xFFFFFFFF, v3;
	v2 =	vsel vm1, $0xFFFFFFFF, v2  }
.Ltmp3:
0x40: {  	v4 =	vshll.u32 v3, $0x8;
	v5 =	vshll.u32 v2, $0x3;
	(pc) =	sbr.rel @p1 .LBB2_3-.Ltmp3, $4  }
0x41: {  	s14 =	sadd.s32 $0x10, s14;
	v3 =	vshll.u32 v3, $0x7;
	v4 =	vand.u32 $0xFFFFF800, v4;
	v5 =	vand.u32 $0xFFFFFC00, v5;
	(ifvalue) =	ssetifvalue $0x7FFFFFFF  }
0x42: {  	v3 =	vand.u32 $0x380, v3;
	v4 =	vadd.s32 v4, v5;
	[tilespmem:s14], [sflag:$0x1] =	stream.indirect_vreg.gather [hbm4b:s3+s10], $0x1, v1, vm0, $0x4038;
	[tilespmem:$0x1000] =	vst v63  }
0x43: {  	v1 =	vand.u32 $0x7F, v2;
	v3 =	vor.u32 v3, v4  }
0x44: {  	s17 =	sadd.s32 $0x10, s17;
	v2 =	vshrl.u32 v0, $0x8;
	v1 =	vor.u32 v1, v3  }
.Ltmp4:
0x45: {  	_ = 	snop;
	(pc) =	sbr.rel .LBB2_4-.Ltmp4, $1  }
0x46: {  	_ =	sdelay $0x3  }
.LBB2_6:
0x47: {  	_ =	sfence.sel $0x180000  }
0x48: {  	s2 =	simm.s32 $0x2;
	[bflag:$0x0] =	sbarrier.arrive $0xFFFF  }
0x49: {  	s30 =	simm.s32 $0x3;
	[sflag:s2] =	ssyncpa.u1 $0x1  }
0x4a: {  	s31 =	simm.s32 $0x1;
	[sflag:s30] =	ssyncpa.u1 $0x1  }
0x4b: {  	[sflag:s31] =	ssyncpa.u1 $0x1  }
0x4c: {  	p0 =	sne.s32 s1, $0x0;
	_ =	strace $0x90000047  }
0x4d: {  	s0 =	sadd.s32 @!p0 $0x100000, s0;
	[bflag:$0x2] =	sbarrier.arrive $0xFFFF  }
0x4e: {  	[sflag:s0] =	ssyncadd.tile.s32 @!p0 $0x1;
	_ =	shalt  }
.Lfunc_end2:
_tile_overlayer_lowered:
.L_overlay_start_2:
0x4f: {  	(tag) =	ssettag $0x2  }
0x50: {  	s0 =	rddreg [dreg:$0x0];
	s2 =	stileid.u32  }
0x51: {  	s1 =	rddreg [dreg:$0x1];
	p0 =	sne.s32 s2, $0x0  }
0x52: {  	s3 =	rddreg [dreg:$0x2];
	[bflag:$0x3] =	sbarrier.arrive $0xFFFF;
	s2 =	simm.s32 @!p0 $0x1C01  }
0x53: {  	[timem:s3], [sflag:s2] =	dma.local @!p0 [hbm:s0], s1  }
0x54: {  	s0 =	simm.s32 @!p0 $0x1  }
0x55: {  	_ =	swait.ge @!p0 [sflag:s0], s1  }
0x56: {  	s1 =	ssub.s32 @!p0 $0x0, s1;
	[sflag:s0] =	ssyncset.done @!p0 $0x0  }
0x57: {  	[sflag:s0] =	ssyncadd.s32 @!p0 s1  }
0x58: {  	[bflag:$0x3] =	sbarrier.arrive $0xFFFF  }
0x59: {  	_ =	shalt  }

</sc_bundles>
